<compile_context>
chip_gen: v7x
topology: tpu7x:2x2x1
jax: 0.10.2.dev20260603
libtpu: 0.0.44.dev20260713+nightly
codegen_flags: <defaults>
</compile_context>

<pallas_src>
import functools

import jax
import jax.numpy as jnp
from jax import lax
from jax.experimental import pallas as pl
from jax.experimental.pallas import tpu as pltpu
from jax.experimental.pallas import tpu_sc as plsc


def _sigma_inv_tc(weight, u2, blk):
    v_rows, d = weight.shape
    nsteps = v_rows // blk

    def body(w_ref, u_ref, o_ref, g_acc, t_acc):
        i = pl.program_id(0)

        @pl.when(i == 0)
        def _init():
            g_acc[...] = jnp.zeros_like(g_acc)
            t_acc[...] = jnp.zeros_like(t_acc)

        w = w_ref[...]
        g_acc[...] += lax.dot_general(
            w, w, (((0,), (0,)), ((), ())), preferred_element_type=jnp.float32)
        t_acc[...] += lax.dot_general(
            u_ref[0], w, (((1,), (0,)), ((), ())),
            preferred_element_type=jnp.float32)

        @pl.when(i == nsteps - 1)
        def _finish():
            g = g_acc[...]
            t = t_acc[...]
            q = lax.dot_general(
                t, g, (((1,), (0,)), ((), ())),
                preferred_element_type=jnp.float32)
            s2 = jnp.sum(q * t)
            n2 = jnp.sum(t * t)
            sigma = jnp.sqrt(s2) / (jnp.sqrt(n2) + 1e-12)
            o_ref[0, 0] = 1.0 / sigma

    return pl.pallas_call(
        body,
        grid=(nsteps,),
        in_specs=[
            pl.BlockSpec((blk, d), lambda i: (i, 0)),
            pl.BlockSpec((1, 1, blk), lambda i: (i, 0, 0)),
        ],
        out_specs=pl.BlockSpec((1, 1), lambda i: (0, 0),
                               memory_space=pltpu.SMEM),
        out_shape=jax.ShapeDtypeStruct((1, 1), jnp.float32),
        scratch_shapes=[
            pltpu.VMEM((d, d), jnp.float32),
            pltpu.VMEM((1, d), jnp.float32),
        ],
        compiler_params=pltpu.CompilerParams(
            dimension_semantics=("arbitrary",)),
    )(weight, u2)


def _sc_workers():
    try:
        info = plsc.get_sparse_core_info()
        return info.num_cores, info.num_subcores
    except Exception:
        return 2, 16


def _gather_scale_sc(table, idx2, sinv16):
    nc, ns = _sc_workers()
    nw = nc * ns
    n_rows = idx2.shape[0]
    v_rows, d = table.shape
    rpw = n_rows // nw
    assert n_rows % nw == 0 and rpw % 2 == 0 and d % 16 == 0
    bt = n_rows * 128
    idx3 = idx2.reshape(nw, rpw, 128)
    mesh = plsc.VectorSubcoreMesh(core_axis_name="c", subcore_axis_name="s")

    @functools.partial(
        pl.kernel,
        out_type=jax.ShapeDtypeStruct((bt, d), jnp.float32),
        mesh=mesh,
        scratch_types=[
            pltpu.VMEM((rpw, 128), jnp.int32),
            pltpu.VMEM((128, d), jnp.float32),
            pltpu.VMEM((128, d), jnp.float32),
            pltpu.VMEM((16,), jnp.float32),
            pltpu.SemaphoreType.DMA,
            pltpu.SemaphoreType.DMA,
        ],
        compiler_params=pltpu.CompilerParams(use_tc_tiling_on_sc=False),
    )
    def k(table_hbm, idx_hbm, sinv_hbm, out_hbm,
          idx_v, buf_a, buf_b, sinv_v, sem_a, sem_b):
        wid = lax.axis_index("s") * nc + lax.axis_index("c")
        row0 = wid * rpw
        pltpu.sync_copy(idx_hbm.at[wid], idx_v)
        pltpu.sync_copy(sinv_hbm, sinv_v)
        s = sinv_v[...]

        def start(buf, sem, j):
            pltpu.async_copy(table_hbm.at[idx_v.at[j]], buf, sem)

        def finish(buf, sem, j):
            pltpu.make_async_copy(table_hbm.at[idx_v.at[j]], buf, sem).wait()

            def scale8(i, carry):
                r = i * 8
                for dr in range(8):
                    for h in range(d // 16):
                        sl = pl.ds(16 * h, 16)
                        buf[r + dr, sl] = buf[r + dr, sl] * s
                return carry

            lax.fori_loop(0, 16, scale8, 0)
            pltpu.sync_copy(buf, out_hbm.at[pl.ds((row0 + j) * 128, 128)])

        start(buf_a, sem_a, 0)
        start(buf_b, sem_b, 1)

        def pair(jp, carry):
            j0 = jp * 2
            finish(buf_a, sem_a, j0)
            start(buf_a, sem_a, j0 + 2)
            finish(buf_b, sem_b, j0 + 1)
            start(buf_b, sem_b, j0 + 3)
            return carry

        lax.fori_loop(0, rpw // 2 - 1, pair, 0)
        finish(buf_a, sem_a, rpw - 2)
        finish(buf_b, sem_b, rpw - 1)

    return k(table, idx3, sinv16)


def kernel(input, weight, u):
    v_rows, d = weight.shape
    blk = 20000
    assert v_rows % blk == 0
    u2 = u.reshape(v_rows // blk, 1, blk)
    sinv = _sigma_inv_tc(weight, u2, blk)
    sinv16 = jnp.broadcast_to(sinv.reshape(1), (16,))

    idx2 = input.reshape(-1).astype(jnp.int32).reshape(-1, 128)
    out = _gather_scale_sc(weight, idx2, sinv16)
    return out.reshape(input.shape + (d,))

# --- scband reference (transcript-rebuilt; emitter-appended) ---
"""Pipeline reference for scband-snembedding-31671088841377 (READ-ONLY COPY).

The authoritative reference and input builder live on the scoring server;
editing this copy changes nothing except your own understanding.
"""

import jax, jax.numpy as jnp
import numpy as np


def _l2normalize(v, eps=1e-12):
    return v / (jnp.linalg.norm(v) + eps)


def setup_inputs(seed: int = 0) -> dict:
    key = jax.random.key(seed)
    k1, k2, k3 = jax.random.split(key, 3)
    indices = jax.random.randint(k1, (4096, 50), 0, 1000000).astype(jnp.int64)
    weight = jax.random.normal(k2, (1000000, 32), dtype=jnp.float32)
    u = jax.random.normal(k3, (1, 1000000), dtype=jnp.float32)
    return {"input": indices, "weight": weight, "u": u}


def reference(input, weight, u):
    # Power iteration (Ip=1) on the detached weight, matching torch's use of W.data
    wd = jax.lax.stop_gradient(weight)
    _v = _l2normalize(jnp.matmul(u, wd))            # (1, D)
    _u = _l2normalize(jnp.matmul(_v, wd.T))         # (1, V)
    sigma = jnp.sum(jnp.matmul(_u, wd) * _v)        # scalar spectral norm estimate
    W_bar = weight / sigma
    # Embedding lookup (padding_idx=None, no max_norm)
    return jnp.take(W_bar, input, axis=0)

if __name__ == "__main__":
    import jax
    _d = setup_inputs()
    print(jax.jit(kernel)(*tuple(_d.values())))

</pallas_src>

<mosaic_0001>
#map = affine_map<(d0, d1) -> (0, 0)>
#map1 = affine_map<(d0, d1) -> (0, 0, 0)>
#map2 = affine_map<(d0, d1) -> (0)>
module attributes {stable_mosaic.version = 14 : i64} {
  func.func @k(%arg0: i32, %arg1: i32, %arg2: memref<1000000x32xf32, #tpu.memory_space<hbm>>, %arg3: memref<32x50x128xi32, #tpu.memory_space<hbm>>, %arg4: memref<16xf32, #tpu.memory_space<hbm>>, %arg5: memref<204800x32xf32, #tpu.memory_space<hbm>>, %arg6: memref<50x128xi32, #tpu.memory_space<vmem>>, %arg7: memref<128x32xf32, #tpu.memory_space<vmem>>, %arg8: memref<128x32xf32, #tpu.memory_space<vmem>>, %arg9: memref<16xf32, #tpu.memory_space<vmem>>, %arg10: memref<!tpu.dma_semaphore, #tpu.memory_space<semaphore_mem>>, %arg11: memref<!tpu.dma_semaphore, #tpu.memory_space<semaphore_mem>>) attributes {dimension_semantics = [#tpu.dimension_semantics<core_parallel>, #tpu.dimension_semantics<subcore_parallel>], iteration_bounds = array<i64: 2, 16>, scalar_prefetch = 0 : i64, scratch_operands = 6 : i64, tpu.core_type = #tpu.core_type<sc_vector_subcore>, window_params = [{transform_indices = #map}, {transform_indices = #map1}, {transform_indices = #map2}, {transform_indices = #map}]} {
    %mul3A = arith.constant 2 : i32
    %mul3A_0 = arith.muli %arg1, %mul3A : i32
    %add3A = arith.addi %mul3A_0, %arg0 : i32
    %mul3A_1 = arith.constant 50 : i32
    %mul3A_2 = arith.muli %add3A, %mul3A_1 : i32
    "tpu.region"() ({
      %run_scoped3A = tpu.sem_alloc : memref<!tpu.dma_semaphore, #tpu.memory_space<semaphore_mem>>
      %dma_start3A_56 = arith.constant 0 : i32
      %dma_start3A_57 = arith.constant 0 : i32
      %dma_start3A_58 = tpu.memref_slice %arg3[%add3A, %dma_start3A_56, %dma_start3A_57] : memref<32x50x128xi32, #tpu.memory_space<hbm>> -> memref<1x50x128xi32, #tpu.memory_space<hbm>>
      %dma_start3A_59 = tpu.memref_squeeze %dma_start3A_58 : memref<1x50x128xi32, #tpu.memory_space<hbm>> -> memref<50x128xi32, #tpu.memory_space<hbm>>
      %dma_start3A_60 = arith.constant 0 : i32
      %dma_start3A_61 = arith.constant 0 : i32
      %dma_start3A_62 = tpu.memref_slice %arg3[%add3A, %dma_start3A_60, %dma_start3A_61] : memref<32x50x128xi32, #tpu.memory_space<hbm>> -> memref<1x50x128xi32, #tpu.memory_space<hbm>>
      %dma_start3A_63 = tpu.memref_squeeze %dma_start3A_62 : memref<1x50x128xi32, #tpu.memory_space<hbm>> -> memref<50x128xi32, #tpu.memory_space<hbm>>
      tpu.enqueue_dma source(%dma_start3A_63 : memref<50x128xi32, #tpu.memory_space<hbm>>) target(%arg6 : memref<50x128xi32, #tpu.memory_space<vmem>>) target_semaphore(%run_scoped3A : memref<!tpu.dma_semaphore, #tpu.memory_space<semaphore_mem>>)
      %dma_wait3A_64 = arith.constant 0 : i32
      %dma_wait3A_65 = arith.constant 0 : i32
      %dma_wait3A_66 = tpu.memref_slice %arg3[%add3A, %dma_wait3A_64, %dma_wait3A_65] : memref<32x50x128xi32, #tpu.memory_space<hbm>> -> memref<1x50x128xi32, #tpu.memory_space<hbm>>
      %dma_wait3A_67 = tpu.memref_squeeze %dma_wait3A_66 : memref<1x50x128xi32, #tpu.memory_space<hbm>> -> memref<50x128xi32, #tpu.memory_space<hbm>>
      %dma_wait3A_68 = arith.constant 0 : i32
      %dma_wait3A_69 = arith.constant 0 : i32
      %dma_wait3A_70 = tpu.memref_slice %arg3[%add3A, %dma_wait3A_68, %dma_wait3A_69] : memref<32x50x128xi32, #tpu.memory_space<hbm>> -> memref<1x50x128xi32, #tpu.memory_space<hbm>>
      %dma_wait3A_71 = tpu.memref_squeeze %dma_wait3A_70 : memref<1x50x128xi32, #tpu.memory_space<hbm>> -> memref<50x128xi32, #tpu.memory_space<hbm>>
      tpu.wait_dma2 semaphore(%run_scoped3A : memref<!tpu.dma_semaphore, #tpu.memory_space<semaphore_mem>>) src(%dma_wait3A_71 : memref<50x128xi32, #tpu.memory_space<hbm>>) dst(%arg6 : memref<50x128xi32, #tpu.memory_space<vmem>>)
      tpu.yield
    }) : () -> ()
    "tpu.region"() ({
      %run_scoped3A = tpu.sem_alloc : memref<!tpu.dma_semaphore, #tpu.memory_space<semaphore_mem>>
      tpu.enqueue_dma source(%arg4 : memref<16xf32, #tpu.memory_space<hbm>>) target(%arg9 : memref<16xf32, #tpu.memory_space<vmem>>) target_semaphore(%run_scoped3A : memref<!tpu.dma_semaphore, #tpu.memory_space<semaphore_mem>>)
      tpu.wait_dma2 semaphore(%run_scoped3A : memref<!tpu.dma_semaphore, #tpu.memory_space<semaphore_mem>>) src(%arg4 : memref<16xf32, #tpu.memory_space<hbm>>) dst(%arg9 : memref<16xf32, #tpu.memory_space<vmem>>)
      tpu.yield
    }) : () -> ()
    %get3A = arith.constant 0 : index
    %get3A_3 = tpu.vector_load %arg9[%get3A] {strides = array<i32>} : memref<16xf32, #tpu.memory_space<vmem>>, vector<16xf32>,
    %get3A_4 = vector.shape_cast %get3A_3 : vector<16xf32> to vector<16xf32>
    %dma_start3A = arith.constant 0 : i32
    %dma_start3A_5 = arith.constant 0 : i32
    %dma_start3A_6 = tpu.memref_slice %arg6[%dma_start3A, %dma_start3A_5] : memref<50x128xi32, #tpu.memory_space<vmem>> -> memref<1x128xi32, #tpu.memory_space<vmem>>
    %dma_start3A_7 = tpu.memref_squeeze %dma_start3A_6 : memref<1x128xi32, #tpu.memory_space<vmem>> -> memref<128xi32, #tpu.memory_space<vmem>>
    %dma_start3A_8 = arith.constant 0 : i32
    %dma_start3A_9 = arith.constant 0 : i32
    %dma_start3A_10 = tpu.memref_slice %arg2[%dma_start3A_8, %dma_start3A_9] : memref<1000000x32xf32, #tpu.memory_space<hbm>> -> memref<1000000x32xf32, #tpu.memory_space<hbm>>
    tpu.enqueue_indirect_dma source(%dma_start3A_10 : memref<1000000x32xf32, #tpu.memory_space<hbm>>) target(%arg7 : memref<128x32xf32, #tpu.memory_space<vmem>>) offsets(%dma_start3A_7 : memref<128xi32, #tpu.memory_space<vmem>>) semaphore(%arg10 : memref<!tpu.dma_semaphore, #tpu.memory_space<semaphore_mem>>)
    %dma_start3A_11 = arith.constant 1 : i32
    %dma_start3A_12 = arith.constant 0 : i32
    %dma_start3A_13 = tpu.memref_slice %arg6[%dma_start3A_11, %dma_start3A_12] : memref<50x128xi32, #tpu.memory_space<vmem>> -> memref<1x128xi32, #tpu.memory_space<vmem>>
    %dma_start3A_14 = tpu.memref_squeeze %dma_start3A_13 : memref<1x128xi32, #tpu.memory_space<vmem>> -> memref<128xi32, #tpu.memory_space<vmem>>
    %dma_start3A_15 = arith.constant 0 : i32
    %dma_start3A_16 = arith.constant 0 : i32
    %dma_start3A_17 = tpu.memref_slice %arg2[%dma_start3A_15, %dma_start3A_16] : memref<1000000x32xf32, #tpu.memory_space<hbm>> -> memref<1000000x32xf32, #tpu.memory_space<hbm>>
    tpu.enqueue_indirect_dma source(%dma_start3A_17 : memref<1000000x32xf32, #tpu.memory_space<hbm>>) target(%arg8 : memref<128x32xf32, #tpu.memory_space<vmem>>) offsets(%dma_start3A_14 : memref<128xi32, #tpu.memory_space<vmem>>) semaphore(%arg11 : memref<!tpu.dma_semaphore, #tpu.memory_space<semaphore_mem>>)
    %scan3A = arith.constant 0 : i32
    %scan3A_18 = arith.constant 0 : i32
    %scan3A_19 = arith.constant 24 : i32
    %scan3A_20 = arith.addi %scan3A_18, %scan3A_19 : i32
    %scan3A_21 = arith.constant 1 : i32
    scf.for %scan3A_56 = %scan3A_18 to %scan3A_20 step %scan3A_21  : i32 {
      %mul3A_57 = arith.constant 2 : i32
      %mul3A_58 = arith.muli %scan3A_56, %mul3A_57 : i32
      %dma_wait3A_59 = arith.constant 0 : i32
      %dma_wait3A_60 = tpu.memref_slice %arg6[%mul3A_58, %dma_wait3A_59] : memref<50x128xi32, #tpu.memory_space<vmem>> -> memref<1x128xi32, #tpu.memory_space<vmem>>
      %dma_wait3A_61 = tpu.memref_squeeze %dma_wait3A_60 : memref<1x128xi32, #tpu.memory_space<vmem>> -> memref<128xi32, #tpu.memory_space<vmem>>
      %dma_wait3A_62 = arith.constant 0 : i32
      %dma_wait3A_63 = arith.constant 0 : i32
      %dma_wait3A_64 = tpu.memref_slice %arg2[%dma_wait3A_62, %dma_wait3A_63] : memref<1000000x32xf32, #tpu.memory_space<hbm>> -> memref<1000000x32xf32, #tpu.memory_space<hbm>>
      tpu.wait_indirect_dma semaphore(%arg10 : memref<!tpu.dma_semaphore, #tpu.memory_space<semaphore_mem>>) src(%dma_wait3A_64 : memref<1000000x32xf32, #tpu.memory_space<hbm>>) dst(%arg7 : memref<128x32xf32, #tpu.memory_space<vmem>>)
      %scan3A_65 = arith.constant 0 : i32
      %scan3A_66 = arith.constant 0 : i32
      %scan3A_67 = arith.constant 16 : i32
      %scan3A_68 = arith.addi %scan3A_66, %scan3A_67 : i32
      %scan3A_69 = arith.constant 1 : i32
      scf.for %scan3A_107 = %scan3A_66 to %scan3A_68 step %scan3A_69  : i32 {
        %mul3A_108 = arith.constant 8 : i32
        %mul3A_109 = arith.muli %scan3A_107, %mul3A_108 : i32
        %add3A_110 = arith.constant 0 : i32
        %add3A_111 = arith.addi %mul3A_109, %add3A_110 : i32
        %get3A_112 = arith.index_cast %add3A_111 : i32 to index
        %get3A_113 = arith.constant 0 : index
        %get3A_114 = tpu.vector_load %arg7[%get3A_112, %get3A_113] {strides = array<i32>} : memref<128x32xf32, #tpu.memory_space<vmem>>, vector<1x16xf32>,
        %get3A_115 = vector.shape_cast %get3A_114 : vector<1x16xf32> to vector<16xf32>
        %mul3A_116 = arith.mulf %get3A_115, %get3A_4 : vector<16xf32>
        %add3A_117 = arith.constant 0 : i32
        %add3A_118 = arith.addi %mul3A_109, %add3A_117 : i32
        %swap3A = arith.index_cast %add3A_118 : i32 to index
        %swap3A_119 = arith.constant 0 : index
        %swap3A_120 = tpu.vector_load %arg7[%swap3A, %swap3A_119] {strides = array<i32>} : memref<128x32xf32, #tpu.memory_space<vmem>>, vector<1x16xf32>,
        %swap3A_121 = vector.shape_cast %swap3A_120 : vector<1x16xf32> to vector<16xf32>
        %swap3A_122 = vector.shape_cast %mul3A_116 : vector<16xf32> to vector<1x16xf32>
        tpu.vector_store %arg7[%swap3A, %swap3A_119], %swap3A_122 {strides = array<i32>} : memref<128x32xf32, #tpu.memory_space<vmem>>, vector<1x16xf32>,
        %add3A_123 = arith.constant 0 : i32
        %add3A_124 = arith.addi %mul3A_109, %add3A_123 : i32
        %get3A_125 = arith.index_cast %add3A_124 : i32 to index
        %get3A_126 = arith.constant 16 : index
        %get3A_127 = tpu.vector_load %arg7[%get3A_125, %get3A_126] {strides = array<i32>} : memref<128x32xf32, #tpu.memory_space<vmem>>, vector<1x16xf32>,
        %get3A_128 = vector.shape_cast %get3A_127 : vector<1x16xf32> to vector<16xf32>
        %mul3A_129 = arith.mulf %get3A_128, %get3A_4 : vector<16xf32>
        %add3A_130 = arith.constant 0 : i32
        %add3A_131 = arith.addi %mul3A_109, %add3A_130 : i32
        %swap3A_132 = arith.index_cast %add3A_131 : i32 to index
        %swap3A_133 = arith.constant 16 : index
        %swap3A_134 = tpu.vector_load %arg7[%swap3A_132, %swap3A_133] {strides = array<i32>} : memref<128x32xf32, #tpu.memory_space<vmem>>, vector<1x16xf32>,
        %swap3A_135 = vector.shape_cast %swap3A_134 : vector<1x16xf32> to vector<16xf32>
        %swap3A_136 = vector.shape_cast %mul3A_129 : vector<16xf32> to vector<1x16xf32>
        tpu.vector_store %arg7[%swap3A_132, %swap3A_133], %swap3A_136 {strides = array<i32>} : memref<128x32xf32, #tpu.memory_space<vmem>>, vector<1x16xf32>,
        %add3A_137 = arith.constant 1 : i32
        %add3A_138 = arith.addi %mul3A_109, %add3A_137 : i32
        %get3A_139 = arith.index_cast %add3A_138 : i32 to index
        %get3A_140 = arith.constant 0 : index
        %get3A_141 = tpu.vector_load %arg7[%get3A_139, %get3A_140] {strides = array<i32>} : memref<128x32xf32, #tpu.memory_space<vmem>>, vector<1x16xf32>,
        %get3A_142 = vector.shape_cast %get3A_141 : vector<1x16xf32> to vector<16xf32>
        %mul3A_143 = arith.mulf %get3A_142, %get3A_4 : vector<16xf32>
        %add3A_144 = arith.constant 1 : i32
        %add3A_145 = arith.addi %mul3A_109, %add3A_144 : i32
        %swap3A_146 = arith.index_cast %add3A_145 : i32 to index
        %swap3A_147 = arith.constant 0 : index
        %swap3A_148 = tpu.vector_load %arg7[%swap3A_146, %swap3A_147] {strides = array<i32>} : memref<128x32xf32, #tpu.memory_space<vmem>>, vector<1x16xf32>,
        %swap3A_149 = vector.shape_cast %swap3A_148 : vector<1x16xf32> to vector<16xf32>
        %swap3A_150 = vector.shape_cast %mul3A_143 : vector<16xf32> to vector<1x16xf32>
        tpu.vector_store %arg7[%swap3A_146, %swap3A_147], %swap3A_150 {strides = array<i32>} : memref<128x32xf32, #tpu.memory_space<vmem>>, vector<1x16xf32>,
        %add3A_151 = arith.constant 1 : i32
        %add3A_152 = arith.addi %mul3A_109, %add3A_151 : i32
        %get3A_153 = arith.index_cast %add3A_152 : i32 to index
        %get3A_154 = arith.constant 16 : index
        %get3A_155 = tpu.vector_load %arg7[%get3A_153, %get3A_154] {strides = array<i32>} : memref<128x32xf32, #tpu.memory_space<vmem>>, vector<1x16xf32>,
        %get3A_156 = vector.shape_cast %get3A_155 : vector<1x16xf32> to vector<16xf32>
        %mul3A_157 = arith.mulf %get3A_156, %get3A_4 : vector<16xf32>
        %add3A_158 = arith.constant 1 : i32
        %add3A_159 = arith.addi %mul3A_109, %add3A_158 : i32
        %swap3A_160 = arith.index_cast %add3A_159 : i32 to index
        %swap3A_161 = arith.constant 16 : index
        %swap3A_162 = tpu.vector_load %arg7[%swap3A_160, %swap3A_161] {strides = array<i32>} : memref<128x32xf32, #tpu.memory_space<vmem>>, vector<1x16xf32>,
        %swap3A_163 = vector.shape_cast %swap3A_162 : vector<1x16xf32> to vector<16xf32>
        %swap3A_164 = vector.shape_cast %mul3A_157 : vector<16xf32> to vector<1x16xf32>
        tpu.vector_store %arg7[%swap3A_160, %swap3A_161], %swap3A_164 {strides = array<i32>} : memref<128x32xf32, #tpu.memory_space<vmem>>, vector<1x16xf32>,
        %add3A_165 = arith.constant 2 : i32
        %add3A_166 = arith.addi %mul3A_109, %add3A_165 : i32
        %get3A_167 = arith.index_cast %add3A_166 : i32 to index
        %get3A_168 = arith.constant 0 : index
        %get3A_169 = tpu.vector_load %arg7[%get3A_167, %get3A_168] {strides = array<i32>} : memref<128x32xf32, #tpu.memory_space<vmem>>, vector<1x16xf32>,
        %get3A_170 = vector.shape_cast %get3A_169 : vector<1x16xf32> to vector<16xf32>
        %mul3A_171 = arith.mulf %get3A_170, %get3A_4 : vector<16xf32>
        %add3A_172 = arith.constant 2 : i32
        %add3A_173 = arith.addi %mul3A_109, %add3A_172 : i32
        %swap3A_174 = arith.index_cast %add3A_173 : i32 to index
        %swap3A_175 = arith.constant 0 : index
        %swap3A_176 = tpu.vector_load %arg7[%swap3A_174, %swap3A_175] {strides = array<i32>} : memref<128x32xf32, #tpu.memory_space<vmem>>, vector<1x16xf32>,
        %swap3A_177 = vector.shape_cast %swap3A_176 : vector<1x16xf32> to vector<16xf32>
        %swap3A_178 = vector.shape_cast %mul3A_171 : vector<16xf32> to vector<1x16xf32>
        tpu.vector_store %arg7[%swap3A_174, %swap3A_175], %swap3A_178 {strides = array<i32>} : memref<128x32xf32, #tpu.memory_space<vmem>>, vector<1x16xf32>,
        %add3A_179 = arith.constant 2 : i32
        %add3A_180 = arith.addi %mul3A_109, %add3A_179 : i32
        %get3A_181 = arith.index_cast %add3A_180 : i32 to index
        %get3A_182 = arith.constant 16 : index
        %get3A_183 = tpu.vector_load %arg7[%get3A_181, %get3A_182] {strides = array<i32>} : memref<128x32xf32, #tpu.memory_space<vmem>>, vector<1x16xf32>,
        %get3A_184 = vector.shape_cast %get3A_183 : vector<1x16xf32> to vector<16xf32>
        %mul3A_185 = arith.mulf %get3A_184, %get3A_4 : vector<16xf32>
        %add3A_186 = arith.constant 2 : i32
        %add3A_187 = arith.addi %mul3A_109, %add3A_186 : i32
        %swap3A_188 = arith.index_cast %add3A_187 : i32 to index
        %swap3A_189 = arith.constant 16 : index
        %swap3A_190 = tpu.vector_load %arg7[%swap3A_188, %swap3A_189] {strides = array<i32>} : memref<128x32xf32, #tpu.memory_space<vmem>>, vector<1x16xf32>,
        %swap3A_191 = vector.shape_cast %swap3A_190 : vector<1x16xf32> to vector<16xf32>
        %swap3A_192 = vector.shape_cast %mul3A_185 : vector<16xf32> to vector<1x16xf32>
        tpu.vector_store %arg7[%swap3A_188, %swap3A_189], %swap3A_192 {strides = array<i32>} : memref<128x32xf32, #tpu.memory_space<vmem>>, vector<1x16xf32>,
        %add3A_193 = arith.constant 3 : i32
        %add3A_194 = arith.addi %mul3A_109, %add3A_193 : i32
        %get3A_195 = arith.index_cast %add3A_194 : i32 to index
        %get3A_196 = arith.constant 0 : index
        %get3A_197 = tpu.vector_load %arg7[%get3A_195, %get3A_196] {strides = array<i32>} : memref<128x32xf32, #tpu.memory_space<vmem>>, vector<1x16xf32>,
        %get3A_198 = vector.shape_cast %get3A_197 : vector<1x16xf32> to vector<16xf32>
        %mul3A_199 = arith.mulf %get3A_198, %get3A_4 : vector<16xf32>
        %add3A_200 = arith.constant 3 : i32
        %add3A_201 = arith.addi %mul3A_109, %add3A_200 : i32
        %swap3A_202 = arith.index_cast %add3A_201 : i32 to index
        %swap3A_203 = arith.constant 0 : index
        %swap3A_204 = tpu.vector_load %arg7[%swap3A_202, %swap3A_203] {strides = array<i32>} : memref<128x32xf32, #tpu.memory_space<vmem>>, vector<1x16xf32>,
        %swap3A_205 = vector.shape_cast %swap3A_204 : vector<1x16xf32> to vector<16xf32>
        %swap3A_206 = vector.shape_cast %mul3A_199 : vector<16xf32> to vector<1x16xf32>
        tpu.vector_store %arg7[%swap3A_202, %swap3A_203], %swap3A_206 {strides = array<i32>} : memref<128x32xf32, #tpu.memory_space<vmem>>, vector<1x16xf32>,
        %add3A_207 = arith.constant 3 : i32
        %add3A_208 = arith.addi %mul3A_109, %add3A_207 : i32
        %get3A_209 = arith.index_cast %add3A_208 : i32 to index
        %get3A_210 = arith.constant 16 : index
        %get3A_211 = tpu.vector_load %arg7[%get3A_209, %get3A_210] {strides = array<i32>} : memref<128x32xf32, #tpu.memory_space<vmem>>, vector<1x16xf32>,
        %get3A_212 = vector.shape_cast %get3A_211 : vector<1x16xf32> to vector<16xf32>
        %mul3A_213 = arith.mulf %get3A_212, %get3A_4 : vector<16xf32>
        %add3A_214 = arith.constant 3 : i32
        %add3A_215 = arith.addi %mul3A_109, %add3A_214 : i32
        %swap3A_216 = arith.index_cast %add3A_215 : i32 to index
        %swap3A_217 = arith.constant 16 : index
        %swap3A_218 = tpu.vector_load %arg7[%swap3A_216, %swap3A_217] {strides = array<i32>} : memref<128x32xf32, #tpu.memory_space<vmem>>, vector<1x16xf32>,
        %swap3A_219 = vector.shape_cast %swap3A_218 : vector<1x16xf32> to vector<16xf32>
        %swap3A_220 = vector.shape_cast %mul3A_213 : vector<16xf32> to vector<1x16xf32>
        tpu.vector_store %arg7[%swap3A_216, %swap3A_217], %swap3A_220 {strides = array<i32>} : memref<128x32xf32, #tpu.memory_space<vmem>>, vector<1x16xf32>,
        %add3A_221 = arith.constant 4 : i32
        %add3A_222 = arith.addi %mul3A_109, %add3A_221 : i32
        %get3A_223 = arith.index_cast %add3A_222 : i32 to index
        %get3A_224 = arith.constant 0 : index
        %get3A_225 = tpu.vector_load %arg7[%get3A_223, %get3A_224] {strides = array<i32>} : memref<128x32xf32, #tpu.memory_space<vmem>>, vector<1x16xf32>,
        %get3A_226 = vector.shape_cast %get3A_225 : vector<1x16xf32> to vector<16xf32>
        %mul3A_227 = arith.mulf %get3A_226, %get3A_4 : vector<16xf32>
        %add3A_228 = arith.constant 4 : i32
        %add3A_229 = arith.addi %mul3A_109, %add3A_228 : i32
        %swap3A_230 = arith.index_cast %add3A_229 : i32 to index
        %swap3A_231 = arith.constant 0 : index
        %swap3A_232 = tpu.vector_load %arg7[%swap3A_230, %swap3A_231] {strides = array<i32>} : memref<128x32xf32, #tpu.memory_space<vmem>>, vector<1x16xf32>,
        %swap3A_233 = vector.shape_cast %swap3A_232 : vector<1x16xf32> to vector<16xf32>
        %swap3A_234 = vector.shape_cast %mul3A_227 : vector<16xf32> to vector<1x16xf32>
        tpu.vector_store %arg7[%swap3A_230, %swap3A_231], %swap3A_234 {strides = array<i32>} : memref<128x32xf32, #tpu.memory_space<vmem>>, vector<1x16xf32>,
        %add3A_235 = arith.constant 4 : i32
        %add3A_236 = arith.addi %mul3A_109, %add3A_235 : i32
        %get3A_237 = arith.index_cast %add3A_236 : i32 to index
        %get3A_238 = arith.constant 16 : index
        %get3A_239 = tpu.vector_load %arg7[%get3A_237, %get3A_238] {strides = array<i32>} : memref<128x32xf32, #tpu.memory_space<vmem>>, vector<1x16xf32>,
        %get3A_240 = vector.shape_cast %get3A_239 : vector<1x16xf32> to vector<16xf32>
        %mul3A_241 = arith.mulf %get3A_240, %get3A_4 : vector<16xf32>
        %add3A_242 = arith.constant 4 : i32
        %add3A_243 = arith.addi %mul3A_109, %add3A_242 : i32
        %swap3A_244 = arith.index_cast %add3A_243 : i32 to index
        %swap3A_245 = arith.constant 16 : index
        %swap3A_246 = tpu.vector_load %arg7[%swap3A_244, %swap3A_245] {strides = array<i32>} : memref<128x32xf32, #tpu.memory_space<vmem>>, vector<1x16xf32>,
        %swap3A_247 = vector.shape_cast %swap3A_246 : vector<1x16xf32> to vector<16xf32>
        %swap3A_248 = vector.shape_cast %mul3A_241 : vector<16xf32> to vector<1x16xf32>
        tpu.vector_store %arg7[%swap3A_244, %swap3A_245], %swap3A_248 {strides = array<i32>} : memref<128x32xf32, #tpu.memory_space<vmem>>, vector<1x16xf32>,
        %add3A_249 = arith.constant 5 : i32
        %add3A_250 = arith.addi %mul3A_109, %add3A_249 : i32
        %get3A_251 = arith.index_cast %add3A_250 : i32 to index
        %get3A_252 = arith.constant 0 : index
        %get3A_253 = tpu.vector_load %arg7[%get3A_251, %get3A_252] {strides = array<i32>} : memref<128x32xf32, #tpu.memory_space<vmem>>, vector<1x16xf32>,
        %get3A_254 = vector.shape_cast %get3A_253 : vector<1x16xf32> to vector<16xf32>
        %mul3A_255 = arith.mulf %get3A_254, %get3A_4 : vector<16xf32>
        %add3A_256 = arith.constant 5 : i32
        %add3A_257 = arith.addi %mul3A_109, %add3A_256 : i32
        %swap3A_258 = arith.index_cast %add3A_257 : i32 to index
        %swap3A_259 = arith.constant 0 : index
        %swap3A_260 = tpu.vector_load %arg7[%swap3A_258, %swap3A_259] {strides = array<i32>} : memref<128x32xf32, #tpu.memory_space<vmem>>, vector<1x16xf32>,
        %swap3A_261 = vector.shape_cast %swap3A_260 : vector<1x16xf32> to vector<16xf32>
        %swap3A_262 = vector.shape_cast %mul3A_255 : vector<16xf32> to vector<1x16xf32>
        tpu.vector_store %arg7[%swap3A_258, %swap3A_259], %swap3A_262 {strides = array<i32>} : memref<128x32xf32, #tpu.memory_space<vmem>>, vector<1x16xf32>,
        %add3A_263 = arith.constant 5 : i32
        %add3A_264 = arith.addi %mul3A_109, %add3A_263 : i32
        %get3A_265 = arith.index_cast %add3A_264 : i32 to index
        %get3A_266 = arith.constant 16 : index
        %get3A_267 = tpu.vector_load %arg7[%get3A_265, %get3A_266] {strides = array<i32>} : memref<128x32xf32, #tpu.memory_space<vmem>>, vector<1x16xf32>,
        %get3A_268 = vector.shape_cast %get3A_267 : vector<1x16xf32> to vector<16xf32>
        %mul3A_269 = arith.mulf %get3A_268, %get3A_4 : vector<16xf32>
        %add3A_270 = arith.constant 5 : i32
        %add3A_271 = arith.addi %mul3A_109, %add3A_270 : i32
        %swap3A_272 = arith.index_cast %add3A_271 : i32 to index
        %swap3A_273 = arith.constant 16 : index
        %swap3A_274 = tpu.vector_load %arg7[%swap3A_272, %swap3A_273] {strides = array<i32>} : memref<128x32xf32, #tpu.memory_space<vmem>>, vector<1x16xf32>,
        %swap3A_275 = vector.shape_cast %swap3A_274 : vector<1x16xf32> to vector<16xf32>
        %swap3A_276 = vector.shape_cast %mul3A_269 : vector<16xf32> to vector<1x16xf32>
        tpu.vector_store %arg7[%swap3A_272, %swap3A_273], %swap3A_276 {strides = array<i32>} : memref<128x32xf32, #tpu.memory_space<vmem>>, vector<1x16xf32>,
        %add3A_277 = arith.constant 6 : i32
        %add3A_278 = arith.addi %mul3A_109, %add3A_277 : i32
        %get3A_279 = arith.index_cast %add3A_278 : i32 to index
        %get3A_280 = arith.constant 0 : index
        %get3A_281 = tpu.vector_load %arg7[%get3A_279, %get3A_280] {strides = array<i32>} : memref<128x32xf32, #tpu.memory_space<vmem>>, vector<1x16xf32>,
        %get3A_282 = vector.shape_cast %get3A_281 : vector<1x16xf32> to vector<16xf32>
        %mul3A_283 = arith.mulf %get3A_282, %get3A_4 : vector<16xf32>
        %add3A_284 = arith.constant 6 : i32
        %add3A_285 = arith.addi %mul3A_109, %add3A_284 : i32
        %swap3A_286 = arith.index_cast %add3A_285 : i32 to index
        %swap3A_287 = arith.constant 0 : index
        %swap3A_288 = tpu.vector_load %arg7[%swap3A_286, %swap3A_287] {strides = array<i32>} : memref<128x32xf32, #tpu.memory_space<vmem>>, vector<1x16xf32>,
        %swap3A_289 = vector.shape_cast %swap3A_288 : vector<1x16xf32> to vector<16xf32>
        %swap3A_290 = vector.shape_cast %mul3A_283 : vector<16xf32> to vector<1x16xf32>
        tpu.vector_store %arg7[%swap3A_286, %swap3A_287], %swap3A_290 {strides = array<i32>} : memref<128x32xf32, #tpu.memory_space<vmem>>, vector<1x16xf32>,
        %add3A_291 = arith.constant 6 : i32
        %add3A_292 = arith.addi %mul3A_109, %add3A_291 : i32
        %get3A_293 = arith.index_cast %add3A_292 : i32 to index
        %get3A_294 = arith.constant 16 : index
        %get3A_295 = tpu.vector_load %arg7[%get3A_293, %get3A_294] {strides = array<i32>} : memref<128x32xf32, #tpu.memory_space<vmem>>, vector<1x16xf32>,
        %get3A_296 = vector.shape_cast %get3A_295 : vector<1x16xf32> to vector<16xf32>
        %mul3A_297 = arith.mulf %get3A_296, %get3A_4 : vector<16xf32>
        %add3A_298 = arith.constant 6 : i32
        %add3A_299 = arith.addi %mul3A_109, %add3A_298 : i32
        %swap3A_300 = arith.index_cast %add3A_299 : i32 to index
        %swap3A_301 = arith.constant 16 : index
        %swap3A_302 = tpu.vector_load %arg7[%swap3A_300, %swap3A_301] {strides = array<i32>} : memref<128x32xf32, #tpu.memory_space<vmem>>, vector<1x16xf32>,
        %swap3A_303 = vector.shape_cast %swap3A_302 : vector<1x16xf32> to vector<16xf32>
        %swap3A_304 = vector.shape_cast %mul3A_297 : vector<16xf32> to vector<1x16xf32>
        tpu.vector_store %arg7[%swap3A_300, %swap3A_301], %swap3A_304 {strides = array<i32>} : memref<128x32xf32, #tpu.memory_space<vmem>>, vector<1x16xf32>,
        %add3A_305 = arith.constant 7 : i32
        %add3A_306 = arith.addi %mul3A_109, %add3A_305 : i32
        %get3A_307 = arith.index_cast %add3A_306 : i32 to index
        %get3A_308 = arith.constant 0 : index
        %get3A_309 = tpu.vector_load %arg7[%get3A_307, %get3A_308] {strides = array<i32>} : memref<128x32xf32, #tpu.memory_space<vmem>>, vector<1x16xf32>,
        %get3A_310 = vector.shape_cast %get3A_309 : vector<1x16xf32> to vector<16xf32>
        %mul3A_311 = arith.mulf %get3A_310, %get3A_4 : vector<16xf32>
        %add3A_312 = arith.constant 7 : i32
        %add3A_313 = arith.addi %mul3A_109, %add3A_312 : i32
        %swap3A_314 = arith.index_cast %add3A_313 : i32 to index
        %swap3A_315 = arith.constant 0 : index
        %swap3A_316 = tpu.vector_load %arg7[%swap3A_314, %swap3A_315] {strides = array<i32>} : memref<128x32xf32, #tpu.memory_space<vmem>>, vector<1x16xf32>,
        %swap3A_317 = vector.shape_cast %swap3A_316 : vector<1x16xf32> to vector<16xf32>
        %swap3A_318 = vector.shape_cast %mul3A_311 : vector<16xf32> to vector<1x16xf32>
        tpu.vector_store %arg7[%swap3A_314, %swap3A_315], %swap3A_318 {strides = array<i32>} : memref<128x32xf32, #tpu.memory_space<vmem>>, vector<1x16xf32>,
        %add3A_319 = arith.constant 7 : i32
        %add3A_320 = arith.addi %mul3A_109, %add3A_319 : i32
        %get3A_321 = arith.index_cast %add3A_320 : i32 to index
        %get3A_322 = arith.constant 16 : index
        %get3A_323 = tpu.vector_load %arg7[%get3A_321, %get3A_322] {strides = array<i32>} : memref<128x32xf32, #tpu.memory_space<vmem>>, vector<1x16xf32>,
        %get3A_324 = vector.shape_cast %get3A_323 : vector<1x16xf32> to vector<16xf32>
        %mul3A_325 = arith.mulf %get3A_324, %get3A_4 : vector<16xf32>
        %add3A_326 = arith.constant 7 : i32
        %add3A_327 = arith.addi %mul3A_109, %add3A_326 : i32
        %swap3A_328 = arith.index_cast %add3A_327 : i32 to index
        %swap3A_329 = arith.constant 16 : index
        %swap3A_330 = tpu.vector_load %arg7[%swap3A_328, %swap3A_329] {strides = array<i32>} : memref<128x32xf32, #tpu.memory_space<vmem>>, vector<1x16xf32>,
        %swap3A_331 = vector.shape_cast %swap3A_330 : vector<1x16xf32> to vector<16xf32>
        %swap3A_332 = vector.shape_cast %mul3A_325 : vector<16xf32> to vector<1x16xf32>
        tpu.vector_store %arg7[%swap3A_328, %swap3A_329], %swap3A_332 {strides = array<i32>} : memref<128x32xf32, #tpu.memory_space<vmem>>, vector<1x16xf32>,
      }
      %scan3A_70 = arith.constant 16 : i32
      %add3A_71 = arith.addi %mul3A_2, %mul3A_58 : i32
      %mul3A_72 = arith.constant 128 : i32
      %mul3A_73 = arith.muli %add3A_71, %mul3A_72 : i32
      "tpu.region"() ({
        %run_scoped3A = tpu.sem_alloc : memref<!tpu.dma_semaphore, #tpu.memory_space<semaphore_mem>>
        %dma_start3A_107 = arith.constant 0 : i32
        %dma_start3A_108 = tpu.memref_slice %arg5[%mul3A_73, %dma_start3A_107] : memref<204800x32xf32, #tpu.memory_space<hbm>> -> memref<128x32xf32, #tpu.memory_space<hbm>>
        %dma_start3A_109 = arith.constant 0 : i32
        %dma_start3A_110 = tpu.memref_slice %arg5[%mul3A_73, %dma_start3A_109] : memref<204800x32xf32, #tpu.memory_space<hbm>> -> memref<128x32xf32, #tpu.memory_space<hbm>>
        tpu.enqueue_dma source(%arg7 : memref<128x32xf32, #tpu.memory_space<vmem>>) target(%dma_start3A_110 : memref<128x32xf32, #tpu.memory_space<hbm>>) target_semaphore(%run_scoped3A : memref<!tpu.dma_semaphore, #tpu.memory_space<semaphore_mem>>)
        %dma_wait3A_111 = arith.constant 0 : i32
        %dma_wait3A_112 = tpu.memref_slice %arg5[%mul3A_73, %dma_wait3A_111] : memref<204800x32xf32, #tpu.memory_space<hbm>> -> memref<128x32xf32, #tpu.memory_space<hbm>>
        %dma_wait3A_113 = arith.constant 0 : i32
        %dma_wait3A_114 = tpu.memref_slice %arg5[%mul3A_73, %dma_wait3A_113] : memref<204800x32xf32, #tpu.memory_space<hbm>> -> memref<128x32xf32, #tpu.memory_space<hbm>>
        tpu.wait_dma2 semaphore(%run_scoped3A : memref<!tpu.dma_semaphore, #tpu.memory_space<semaphore_mem>>) src(%arg7 : memref<128x32xf32, #tpu.memory_space<vmem>>) dst(%dma_wait3A_114 : memref<128x32xf32, #tpu.memory_space<hbm>>)
        tpu.yield
      }) : () -> ()
      %add3A_74 = arith.constant 2 : i32
      %add3A_75 = arith.addi %mul3A_58, %add3A_74 : i32
      %dma_start3A_76 = arith.constant 0 : i32
      %dma_start3A_77 = tpu.memref_slice %arg6[%add3A_75, %dma_start3A_76] : memref<50x128xi32, #tpu.memory_space<vmem>> -> memref<1x128xi32, #tpu.memory_space<vmem>>
      %dma_start3A_78 = tpu.memref_squeeze %dma_start3A_77 : memref<1x128xi32, #tpu.memory_space<vmem>> -> memref<128xi32, #tpu.memory_space<vmem>>
      %dma_start3A_79 = arith.constant 0 : i32
      %dma_start3A_80 = arith.constant 0 : i32
      %dma_start3A_81 = tpu.memref_slice %arg2[%dma_start3A_79, %dma_start3A_80] : memref<1000000x32xf32, #tpu.memory_space<hbm>> -> memref<1000000x32xf32, #tpu.memory_space<hbm>>
      tpu.enqueue_indirect_dma source(%dma_start3A_81 : memref<1000000x32xf32, #tpu.memory_space<hbm>>) target(%arg7 : memref<128x32xf32, #tpu.memory_space<vmem>>) offsets(%dma_start3A_78 : memref<128xi32, #tpu.memory_space<vmem>>) semaphore(%arg10 : memref<!tpu.dma_semaphore, #tpu.memory_space<semaphore_mem>>)
      %add3A_82 = arith.constant 1 : i32
      %add3A_83 = arith.addi %mul3A_58, %add3A_82 : i32
      %dma_wait3A_84 = arith.constant 0 : i32
      %dma_wait3A_85 = tpu.memref_slice %arg6[%add3A_83, %dma_wait3A_84] : memref<50x128xi32, #tpu.memory_space<vmem>> -> memref<1x128xi32, #tpu.memory_space<vmem>>
      %dma_wait3A_86 = tpu.memref_squeeze %dma_wait3A_85 : memref<1x128xi32, #tpu.memory_space<vmem>> -> memref<128xi32, #tpu.memory_space<vmem>>
      %dma_wait3A_87 = arith.constant 0 : i32
      %dma_wait3A_88 = arith.constant 0 : i32
      %dma_wait3A_89 = tpu.memref_slice %arg2[%dma_wait3A_87, %dma_wait3A_88] : memref<1000000x32xf32, #tpu.memory_space<hbm>> -> memref<1000000x32xf32, #tpu.memory_space<hbm>>
      tpu.wait_indirect_dma semaphore(%arg11 : memref<!tpu.dma_semaphore, #tpu.memory_space<semaphore_mem>>) src(%dma_wait3A_89 : memref<1000000x32xf32, #tpu.memory_space<hbm>>) dst(%arg8 : memref<128x32xf32, #tpu.memory_space<vmem>>)
      %scan3A_90 = arith.constant 0 : i32
      %scan3A_91 = arith.constant 0 : i32
      %scan3A_92 = arith.constant 16 : i32
      %scan3A_93 = arith.addi %scan3A_91, %scan3A_92 : i32
      %scan3A_94 = arith.constant 1 : i32
      scf.for %scan3A_107 = %scan3A_91 to %scan3A_93 step %scan3A_94  : i32 {
        %mul3A_108 = arith.constant 8 : i32
        %mul3A_109 = arith.muli %scan3A_107, %mul3A_108 : i32
        %add3A_110 = arith.constant 0 : i32
        %add3A_111 = arith.addi %mul3A_109, %add3A_110 : i32
        %get3A_112 = arith.index_cast %add3A_111 : i32 to index
        %get3A_113 = arith.constant 0 : index
        %get3A_114 = tpu.vector_load %arg8[%get3A_112, %get3A_113] {strides = array<i32>} : memref<128x32xf32, #tpu.memory_space<vmem>>, vector<1x16xf32>,
        %get3A_115 = vector.shape_cast %get3A_114 : vector<1x16xf32> to vector<16xf32>
        %mul3A_116 = arith.mulf %get3A_115, %get3A_4 : vector<16xf32>
        %add3A_117 = arith.constant 0 : i32
        %add3A_118 = arith.addi %mul3A_109, %add3A_117 : i32
        %swap3A = arith.index_cast %add3A_118 : i32 to index
        %swap3A_119 = arith.constant 0 : index
        %swap3A_120 = tpu.vector_load %arg8[%swap3A, %swap3A_119] {strides = array<i32>} : memref<128x32xf32, #tpu.memory_space<vmem>>, vector<1x16xf32>,
        %swap3A_121 = vector.shape_cast %swap3A_120 : vector<1x16xf32> to vector<16xf32>
        %swap3A_122 = vector.shape_cast %mul3A_116 : vector<16xf32> to vector<1x16xf32>
        tpu.vector_store %arg8[%swap3A, %swap3A_119], %swap3A_122 {strides = array<i32>} : memref<128x32xf32, #tpu.memory_space<vmem>>, vector<1x16xf32>,
        %add3A_123 = arith.constant 0 : i32
        %add3A_124 = arith.addi %mul3A_109, %add3A_123 : i32
        %get3A_125 = arith.index_cast %add3A_124 : i32 to index
        %get3A_126 = arith.constant 16 : index
        %get3A_127 = tpu.vector_load %arg8[%get3A_125, %get3A_126] {strides = array<i32>} : memref<128x32xf32, #tpu.memory_space<vmem>>, vector<1x16xf32>,
        %get3A_128 = vector.shape_cast %get3A_127 : vector<1x16xf32> to vector<16xf32>
        %mul3A_129 = arith.mulf %get3A_128, %get3A_4 : vector<16xf32>
        %add3A_130 = arith.constant 0 : i32
        %add3A_131 = arith.addi %mul3A_109, %add3A_130 : i32
        %swap3A_132 = arith.index_cast %add3A_131 : i32 to index
        %swap3A_133 = arith.constant 16 : index
        %swap3A_134 = tpu.vector_load %arg8[%swap3A_132, %swap3A_133] {strides = array<i32>} : memref<128x32xf32, #tpu.memory_space<vmem>>, vector<1x16xf32>,
        %swap3A_135 = vector.shape_cast %swap3A_134 : vector<1x16xf32> to vector<16xf32>
        %swap3A_136 = vector.shape_cast %mul3A_129 : vector<16xf32> to vector<1x16xf32>
        tpu.vector_store %arg8[%swap3A_132, %swap3A_133], %swap3A_136 {strides = array<i32>} : memref<128x32xf32, #tpu.memory_space<vmem>>, vector<1x16xf32>,
        %add3A_137 = arith.constant 1 : i32
        %add3A_138 = arith.addi %mul3A_109, %add3A_137 : i32
        %get3A_139 = arith.index_cast %add3A_138 : i32 to index
        %get3A_140 = arith.constant 0 : index
        %get3A_141 = tpu.vector_load %arg8[%get3A_139, %get3A_140] {strides = array<i32>} : memref<128x32xf32, #tpu.memory_space<vmem>>, vector<1x16xf32>,
        %get3A_142 = vector.shape_cast %get3A_141 : vector<1x16xf32> to vector<16xf32>
        %mul3A_143 = arith.mulf %get3A_142, %get3A_4 : vector<16xf32>
        %add3A_144 = arith.constant 1 : i32
        %add3A_145 = arith.addi %mul3A_109, %add3A_144 : i32
        %swap3A_146 = arith.index_cast %add3A_145 : i32 to index
        %swap3A_147 = arith.constant 0 : index
        %swap3A_148 = tpu.vector_load %arg8[%swap3A_146, %swap3A_147] {strides = array<i32>} : memref<128x32xf32, #tpu.memory_space<vmem>>, vector<1x16xf32>,
        %swap3A_149 = vector.shape_cast %swap3A_148 : vector<1x16xf32> to vector<16xf32>
        %swap3A_150 = vector.shape_cast %mul3A_143 : vector<16xf32> to vector<1x16xf32>
        tpu.vector_store %arg8[%swap3A_146, %swap3A_147], %swap3A_150 {strides = array<i32>} : memref<128x32xf32, #tpu.memory_space<vmem>>, vector<1x16xf32>,
        %add3A_151 = arith.constant 1 : i32
        %add3A_152 = arith.addi %mul3A_109, %add3A_151 : i32
        %get3A_153 = arith.index_cast %add3A_152 : i32 to index
        %get3A_154 = arith.constant 16 : index
        %get3A_155 = tpu.vector_load %arg8[%get3A_153, %get3A_154] {strides = array<i32>} : memref<128x32xf32, #tpu.memory_space<vmem>>, vector<1x16xf32>,
        %get3A_156 = vector.shape_cast %get3A_155 : vector<1x16xf32> to vector<16xf32>
        %mul3A_157 = arith.mulf %get3A_156, %get3A_4 : vector<16xf32>
        %add3A_158 = arith.constant 1 : i32
        %add3A_159 = arith.addi %mul3A_109, %add3A_158 : i32
        %swap3A_160 = arith.index_cast %add3A_159 : i32 to index
        %swap3A_161 = arith.constant 16 : index
        %swap3A_162 = tpu.vector_load %arg8[%swap3A_160, %swap3A_161] {strides = array<i32>} : memref<128x32xf32, #tpu.memory_space<vmem>>, vector<1x16xf32>,
        %swap3A_163 = vector.shape_cast %swap3A_162 : vector<1x16xf32> to vector<16xf32>
        %swap3A_164 = vector.shape_cast %mul3A_157 : vector<16xf32> to vector<1x16xf32>
        tpu.vector_store %arg8[%swap3A_160, %swap3A_161], %swap3A_164 {strides = array<i32>} : memref<128x32xf32, #tpu.memory_space<vmem>>, vector<1x16xf32>,
        %add3A_165 = arith.constant 2 : i32
        %add3A_166 = arith.addi %mul3A_109, %add3A_165 : i32
        %get3A_167 = arith.index_cast %add3A_166 : i32 to index
        %get3A_168 = arith.constant 0 : index
        %get3A_169 = tpu.vector_load %arg8[%get3A_167, %get3A_168] {strides = array<i32>} : memref<128x32xf32, #tpu.memory_space<vmem>>, vector<1x16xf32>,
        %get3A_170 = vector.shape_cast %get3A_169 : vector<1x16xf32> to vector<16xf32>
        %mul3A_171 = arith.mulf %get3A_170, %get3A_4 : vector<16xf32>
        %add3A_172 = arith.constant 2 : i32
        %add3A_173 = arith.addi %mul3A_109, %add3A_172 : i32
        %swap3A_174 = arith.index_cast %add3A_173 : i32 to index
        %swap3A_175 = arith.constant 0 : index
        %swap3A_176 = tpu.vector_load %arg8[%swap3A_174, %swap3A_175] {strides = array<i32>} : memref<128x32xf32, #tpu.memory_space<vmem>>, vector<1x16xf32>,
        %swap3A_177 = vector.shape_cast %swap3A_176 : vector<1x16xf32> to vector<16xf32>
        %swap3A_178 = vector.shape_cast %mul3A_171 : vector<16xf32> to vector<1x16xf32>
        tpu.vector_store %arg8[%swap3A_174, %swap3A_175], %swap3A_178 {strides = array<i32>} : memref<128x32xf32, #tpu.memory_space<vmem>>, vector<1x16xf32>,
        %add3A_179 = arith.constant 2 : i32
        %add3A_180 = arith.addi %mul3A_109, %add3A_179 : i32
        %get3A_181 = arith.index_cast %add3A_180 : i32 to index
        %get3A_182 = arith.constant 16 : index
        %get3A_183 = tpu.vector_load %arg8[%get3A_181, %get3A_182] {strides = array<i32>} : memref<128x32xf32, #tpu.memory_space<vmem>>, vector<1x16xf32>,
        %get3A_184 = vector.shape_cast %get3A_183 : vector<1x16xf32> to vector<16xf32>
        %mul3A_185 = arith.mulf %get3A_184, %get3A_4 : vector<16xf32>
        %add3A_186 = arith.constant 2 : i32
        %add3A_187 = arith.addi %mul3A_109, %add3A_186 : i32
        %swap3A_188 = arith.index_cast %add3A_187 : i32 to index
        %swap3A_189 = arith.constant 16 : index
        %swap3A_190 = tpu.vector_load %arg8[%swap3A_188, %swap3A_189] {strides = array<i32>} : memref<128x32xf32, #tpu.memory_space<vmem>>, vector<1x16xf32>,
        %swap3A_191 = vector.shape_cast %swap3A_190 : vector<1x16xf32> to vector<16xf32>
        %swap3A_192 = vector.shape_cast %mul3A_185 : vector<16xf32> to vector<1x16xf32>
        tpu.vector_store %arg8[%swap3A_188, %swap3A_189], %swap3A_192 {strides = array<i32>} : memref<128x32xf32, #tpu.memory_space<vmem>>, vector<1x16xf32>,
        %add3A_193 = arith.constant 3 : i32
        %add3A_194 = arith.addi %mul3A_109, %add3A_193 : i32
        %get3A_195 = arith.index_cast %add3A_194 : i32 to index
        %get3A_196 = arith.constant 0 : index
        %get3A_197 = tpu.vector_load %arg8[%get3A_195, %get3A_196] {strides = array<i32>} : memref<128x32xf32, #tpu.memory_space<vmem>>, vector<1x16xf32>,
        %get3A_198 = vector.shape_cast %get3A_197 : vector<1x16xf32> to vector<16xf32>
        %mul3A_199 = arith.mulf %get3A_198, %get3A_4 : vector<16xf32>
        %add3A_200 = arith.constant 3 : i32
        %add3A_201 = arith.addi %mul3A_109, %add3A_200 : i32
        %swap3A_202 = arith.index_cast %add3A_201 : i32 to index
        %swap3A_203 = arith.constant 0 : index
        %swap3A_204 = tpu.vector_load %arg8[%swap3A_202, %swap3A_203] {strides = array<i32>} : memref<128x32xf32, #tpu.memory_space<vmem>>, vector<1x16xf32>,
        %swap3A_205 = vector.shape_cast %swap3A_204 : vector<1x16xf32> to vector<16xf32>
        %swap3A_206 = vector.shape_cast %mul3A_199 : vector<16xf32> to vector<1x16xf32>
        tpu.vector_store %arg8[%swap3A_202, %swap3A_203], %swap3A_206 {strides = array<i32>} : memref<128x32xf32, #tpu.memory_space<vmem>>, vector<1x16xf32>,
        %add3A_207 = arith.constant 3 : i32
        %add3A_208 = arith.addi %mul3A_109, %add3A_207 : i32
        %get3A_209 = arith.index_cast %add3A_208 : i32 to index
        %get3A_210 = arith.constant 16 : index
        %get3A_211 = tpu.vector_load %arg8[%get3A_209, %get3A_210] {strides = array<i32>} : memref<128x32xf32, #tpu.memory_space<vmem>>, vector<1x16xf32>,
        %get3A_212 = vector.shape_cast %get3A_211 : vector<1x16xf32> to vector<16xf32>
        %mul3A_213 = arith.mulf %get3A_212, %get3A_4 : vector<16xf32>
        %add3A_214 = arith.constant 3 : i32
        %add3A_215 = arith.addi %mul3A_109, %add3A_214 : i32
        %swap3A_216 = arith.index_cast %add3A_215 : i32 to index
        %swap3A_217 = arith.constant 16 : index
        %swap3A_218 = tpu.vector_load %arg8[%swap3A_216, %swap3A_217] {strides = array<i32>} : memref<128x32xf32, #tpu.memory_space<vmem>>, vector<1x16xf32>,
        %swap3A_219 = vector.shape_cast %swap3A_218 : vector<1x16xf32> to vector<16xf32>
        %swap3A_220 = vector.shape_cast %mul3A_213 : vector<16xf32> to vector<1x16xf32>
        tpu.vector_store %arg8[%swap3A_216, %swap3A_217], %swap3A_220 {strides = array<i32>} : memref<128x32xf32, #tpu.memory_space<vmem>>, vector<1x16xf32>,
        %add3A_221 = arith.constant 4 : i32
        %add3A_222 = arith.addi %mul3A_109, %add3A_221 : i32
        %get3A_223 = arith.index_cast %add3A_222 : i32 to index
        %get3A_224 = arith.constant 0 : index
        %get3A_225 = tpu.vector_load %arg8[%get3A_223, %get3A_224] {strides = array<i32>} : memref<128x32xf32, #tpu.memory_space<vmem>>, vector<1x16xf32>,
        %get3A_226 = vector.shape_cast %get3A_225 : vector<1x16xf32> to vector<16xf32>
        %mul3A_227 = arith.mulf %get3A_226, %get3A_4 : vector<16xf32>
        %add3A_228 = arith.constant 4 : i32
        %add3A_229 = arith.addi %mul3A_109, %add3A_228 : i32
        %swap3A_230 = arith.index_cast %add3A_229 : i32 to index
        %swap3A_231 = arith.constant 0 : index
        %swap3A_232 = tpu.vector_load %arg8[%swap3A_230, %swap3A_231] {strides = array<i32>} : memref<128x32xf32, #tpu.memory_space<vmem>>, vector<1x16xf32>,
        %swap3A_233 = vector.shape_cast %swap3A_232 : vector<1x16xf32> to vector<16xf32>
        %swap3A_234 = vector.shape_cast %mul3A_227 : vector<16xf32> to vector<1x16xf32>
        tpu.vector_store %arg8[%swap3A_230, %swap3A_231], %swap3A_234 {strides = array<i32>} : memref<128x32xf32, #tpu.memory_space<vmem>>, vector<1x16xf32>,
        %add3A_235 = arith.constant 4 : i32
        %add3A_236 = arith.addi %mul3A_109, %add3A_235 : i32
        %get3A_237 = arith.index_cast %add3A_236 : i32 to index
        %get3A_238 = arith.constant 16 : index
        %get3A_239 = tpu.vector_load %arg8[%get3A_237, %get3A_238] {strides = array<i32>} : memref<128x32xf32, #tpu.memory_space<vmem>>, vector<1x16xf32>,
        %get3A_240 = vector.shape_cast %get3A_239 : vector<1x16xf32> to vector<16xf32>
        %mul3A_241 = arith.mulf %get3A_240, %get3A_4 : vector<16xf32>
        %add3A_242 = arith.constant 4 : i32
        %add3A_243 = arith.addi %mul3A_109, %add3A_242 : i32
        %swap3A_244 = arith.index_cast %add3A_243 : i32 to index
        %swap3A_245 = arith.constant 16 : index
        %swap3A_246 = tpu.vector_load %arg8[%swap3A_244, %swap3A_245] {strides = array<i32>} : memref<128x32xf32, #tpu.memory_space<vmem>>, vector<1x16xf32>,
        %swap3A_247 = vector.shape_cast %swap3A_246 : vector<1x16xf32> to vector<16xf32>
        %swap3A_248 = vector.shape_cast %mul3A_241 : vector<16xf32> to vector<1x16xf32>
        tpu.vector_store %arg8[%swap3A_244, %swap3A_245], %swap3A_248 {strides = array<i32>} : memref<128x32xf32, #tpu.memory_space<vmem>>, vector<1x16xf32>,
        %add3A_249 = arith.constant 5 : i32
        %add3A_250 = arith.addi %mul3A_109, %add3A_249 : i32
        %get3A_251 = arith.index_cast %add3A_250 : i32 to index
        %get3A_252 = arith.constant 0 : index
        %get3A_253 = tpu.vector_load %arg8[%get3A_251, %get3A_252] {strides = array<i32>} : memref<128x32xf32, #tpu.memory_space<vmem>>, vector<1x16xf32>,
        %get3A_254 = vector.shape_cast %get3A_253 : vector<1x16xf32> to vector<16xf32>
        %mul3A_255 = arith.mulf %get3A_254, %get3A_4 : vector<16xf32>
        %add3A_256 = arith.constant 5 : i32
        %add3A_257 = arith.addi %mul3A_109, %add3A_256 : i32
        %swap3A_258 = arith.index_cast %add3A_257 : i32 to index
        %swap3A_259 = arith.constant 0 : index
        %swap3A_260 = tpu.vector_load %arg8[%swap3A_258, %swap3A_259] {strides = array<i32>} : memref<128x32xf32, #tpu.memory_space<vmem>>, vector<1x16xf32>,
        %swap3A_261 = vector.shape_cast %swap3A_260 : vector<1x16xf32> to vector<16xf32>
        %swap3A_262 = vector.shape_cast %mul3A_255 : vector<16xf32> to vector<1x16xf32>
        tpu.vector_store %arg8[%swap3A_258, %swap3A_259], %swap3A_262 {strides = array<i32>} : memref<128x32xf32, #tpu.memory_space<vmem>>, vector<1x16xf32>,
        %add3A_263 = arith.constant 5 : i32
        %add3A_264 = arith.addi %mul3A_109, %add3A_263 : i32
        %get3A_265 = arith.index_cast %add3A_264 : i32 to index
        %get3A_266 = arith.constant 16 : index
        %get3A_267 = tpu.vector_load %arg8[%get3A_265, %get3A_266] {strides = array<i32>} : memref<128x32xf32, #tpu.memory_space<vmem>>, vector<1x16xf32>,
        %get3A_268 = vector.shape_cast %get3A_267 : vector<1x16xf32> to vector<16xf32>
        %mul3A_269 = arith.mulf %get3A_268, %get3A_4 : vector<16xf32>
        %add3A_270 = arith.constant 5 : i32
        %add3A_271 = arith.addi %mul3A_109, %add3A_270 : i32
        %swap3A_272 = arith.index_cast %add3A_271 : i32 to index
        %swap3A_273 = arith.constant 16 : index
        %swap3A_274 = tpu.vector_load %arg8[%swap3A_272, %swap3A_273] {strides = array<i32>} : memref<128x32xf32, #tpu.memory_space<vmem>>, vector<1x16xf32>,
        %swap3A_275 = vector.shape_cast %swap3A_274 : vector<1x16xf32> to vector<16xf32>
        %swap3A_276 = vector.shape_cast %mul3A_269 : vector<16xf32> to vector<1x16xf32>
        tpu.vector_store %arg8[%swap3A_272, %swap3A_273], %swap3A_276 {strides = array<i32>} : memref<128x32xf32, #tpu.memory_space<vmem>>, vector<1x16xf32>,
        %add3A_277 = arith.constant 6 : i32
        %add3A_278 = arith.addi %mul3A_109, %add3A_277 : i32
        %get3A_279 = arith.index_cast %add3A_278 : i32 to index
        %get3A_280 = arith.constant 0 : index
        %get3A_281 = tpu.vector_load %arg8[%get3A_279, %get3A_280] {strides = array<i32>} : memref<128x32xf32, #tpu.memory_space<vmem>>, vector<1x16xf32>,
        %get3A_282 = vector.shape_cast %get3A_281 : vector<1x16xf32> to vector<16xf32>
        %mul3A_283 = arith.mulf %get3A_282, %get3A_4 : vector<16xf32>
        %add3A_284 = arith.constant 6 : i32
        %add3A_285 = arith.addi %mul3A_109, %add3A_284 : i32
        %swap3A_286 = arith.index_cast %add3A_285 : i32 to index
        %swap3A_287 = arith.constant 0 : index
        %swap3A_288 = tpu.vector_load %arg8[%swap3A_286, %swap3A_287] {strides = array<i32>} : memref<128x32xf32, #tpu.memory_space<vmem>>, vector<1x16xf32>,
        %swap3A_289 = vector.shape_cast %swap3A_288 : vector<1x16xf32> to vector<16xf32>
        %swap3A_290 = vector.shape_cast %mul3A_283 : vector<16xf32> to vector<1x16xf32>
        tpu.vector_store %arg8[%swap3A_286, %swap3A_287], %swap3A_290 {strides = array<i32>} : memref<128x32xf32, #tpu.memory_space<vmem>>, vector<1x16xf32>,
        %add3A_291 = arith.constant 6 : i32
        %add3A_292 = arith.addi %mul3A_109, %add3A_291 : i32
        %get3A_293 = arith.index_cast %add3A_292 : i32 to index
        %get3A_294 = arith.constant 16 : index
        %get3A_295 = tpu.vector_load %arg8[%get3A_293, %get3A_294] {strides = array<i32>} : memref<128x32xf32, #tpu.memory_space<vmem>>, vector<1x16xf32>,
        %get3A_296 = vector.shape_cast %get3A_295 : vector<1x16xf32> to vector<16xf32>
        %mul3A_297 = arith.mulf %get3A_296, %get3A_4 : vector<16xf32>
        %add3A_298 = arith.constant 6 : i32
        %add3A_299 = arith.addi %mul3A_109, %add3A_298 : i32
        %swap3A_300 = arith.index_cast %add3A_299 : i32 to index
        %swap3A_301 = arith.constant 16 : index
        %swap3A_302 = tpu.vector_load %arg8[%swap3A_300, %swap3A_301] {strides = array<i32>} : memref<128x32xf32, #tpu.memory_space<vmem>>, vector<1x16xf32>,
        %swap3A_303 = vector.shape_cast %swap3A_302 : vector<1x16xf32> to vector<16xf32>
        %swap3A_304 = vector.shape_cast %mul3A_297 : vector<16xf32> to vector<1x16xf32>
        tpu.vector_store %arg8[%swap3A_300, %swap3A_301], %swap3A_304 {strides = array<i32>} : memref<128x32xf32, #tpu.memory_space<vmem>>, vector<1x16xf32>,
        %add3A_305 = arith.constant 7 : i32
        %add3A_306 = arith.addi %mul3A_109, %add3A_305 : i32
        %get3A_307 = arith.index_cast %add3A_306 : i32 to index
        %get3A_308 = arith.constant 0 : index
        %get3A_309 = tpu.vector_load %arg8[%get3A_307, %get3A_308] {strides = array<i32>} : memref<128x32xf32, #tpu.memory_space<vmem>>, vector<1x16xf32>,
        %get3A_310 = vector.shape_cast %get3A_309 : vector<1x16xf32> to vector<16xf32>
        %mul3A_311 = arith.mulf %get3A_310, %get3A_4 : vector<16xf32>
        %add3A_312 = arith.constant 7 : i32
        %add3A_313 = arith.addi %mul3A_109, %add3A_312 : i32
        %swap3A_314 = arith.index_cast %add3A_313 : i32 to index
        %swap3A_315 = arith.constant 0 : index
        %swap3A_316 = tpu.vector_load %arg8[%swap3A_314, %swap3A_315] {strides = array<i32>} : memref<128x32xf32, #tpu.memory_space<vmem>>, vector<1x16xf32>,
        %swap3A_317 = vector.shape_cast %swap3A_316 : vector<1x16xf32> to vector<16xf32>
        %swap3A_318 = vector.shape_cast %mul3A_311 : vector<16xf32> to vector<1x16xf32>
        tpu.vector_store %arg8[%swap3A_314, %swap3A_315], %swap3A_318 {strides = array<i32>} : memref<128x32xf32, #tpu.memory_space<vmem>>, vector<1x16xf32>,
        %add3A_319 = arith.constant 7 : i32
        %add3A_320 = arith.addi %mul3A_109, %add3A_319 : i32
        %get3A_321 = arith.index_cast %add3A_320 : i32 to index
        %get3A_322 = arith.constant 16 : index
        %get3A_323 = tpu.vector_load %arg8[%get3A_321, %get3A_322] {strides = array<i32>} : memref<128x32xf32, #tpu.memory_space<vmem>>, vector<1x16xf32>,
        %get3A_324 = vector.shape_cast %get3A_323 : vector<1x16xf32> to vector<16xf32>
        %mul3A_325 = arith.mulf %get3A_324, %get3A_4 : vector<16xf32>
        %add3A_326 = arith.constant 7 : i32
        %add3A_327 = arith.addi %mul3A_109, %add3A_326 : i32
        %swap3A_328 = arith.index_cast %add3A_327 : i32 to index
        %swap3A_329 = arith.constant 16 : index
        %swap3A_330 = tpu.vector_load %arg8[%swap3A_328, %swap3A_329] {strides = array<i32>} : memref<128x32xf32, #tpu.memory_space<vmem>>, vector<1x16xf32>,
        %swap3A_331 = vector.shape_cast %swap3A_330 : vector<1x16xf32> to vector<16xf32>
        %swap3A_332 = vector.shape_cast %mul3A_325 : vector<16xf32> to vector<1x16xf32>
        tpu.vector_store %arg8[%swap3A_328, %swap3A_329], %swap3A_332 {strides = array<i32>} : memref<128x32xf32, #tpu.memory_space<vmem>>, vector<1x16xf32>,
      }
      %scan3A_95 = arith.constant 16 : i32
      %add3A_96 = arith.addi %mul3A_2, %add3A_83 : i32
      %mul3A_97 = arith.constant 128 : i32
      %mul3A_98 = arith.muli %add3A_96, %mul3A_97 : i32
      "tpu.region"() ({
        %run_scoped3A = tpu.sem_alloc : memref<!tpu.dma_semaphore, #tpu.memory_space<semaphore_mem>>
        %dma_start3A_107 = arith.constant 0 : i32
        %dma_start3A_108 = tpu.memref_slice %arg5[%mul3A_98, %dma_start3A_107] : memref<204800x32xf32, #tpu.memory_space<hbm>> -> memref<128x32xf32, #tpu.memory_space<hbm>>
        %dma_start3A_109 = arith.constant 0 : i32
        %dma_start3A_110 = tpu.memref_slice %arg5[%mul3A_98, %dma_start3A_109] : memref<204800x32xf32, #tpu.memory_space<hbm>> -> memref<128x32xf32, #tpu.memory_space<hbm>>
        tpu.enqueue_dma source(%arg8 : memref<128x32xf32, #tpu.memory_space<vmem>>) target(%dma_start3A_110 : memref<128x32xf32, #tpu.memory_space<hbm>>) target_semaphore(%run_scoped3A : memref<!tpu.dma_semaphore, #tpu.memory_space<semaphore_mem>>)
        %dma_wait3A_111 = arith.constant 0 : i32
        %dma_wait3A_112 = tpu.memref_slice %arg5[%mul3A_98, %dma_wait3A_111] : memref<204800x32xf32, #tpu.memory_space<hbm>> -> memref<128x32xf32, #tpu.memory_space<hbm>>
        %dma_wait3A_113 = arith.constant 0 : i32
        %dma_wait3A_114 = tpu.memref_slice %arg5[%mul3A_98, %dma_wait3A_113] : memref<204800x32xf32, #tpu.memory_space<hbm>> -> memref<128x32xf32, #tpu.memory_space<hbm>>
        tpu.wait_dma2 semaphore(%run_scoped3A : memref<!tpu.dma_semaphore, #tpu.memory_space<semaphore_mem>>) src(%arg8 : memref<128x32xf32, #tpu.memory_space<vmem>>) dst(%dma_wait3A_114 : memref<128x32xf32, #tpu.memory_space<hbm>>)
        tpu.yield
      }) : () -> ()
      %add3A_99 = arith.constant 3 : i32
      %add3A_100 = arith.addi %mul3A_58, %add3A_99 : i32
      %dma_start3A_101 = arith.constant 0 : i32
      %dma_start3A_102 = tpu.memref_slice %arg6[%add3A_100, %dma_start3A_101] : memref<50x128xi32, #tpu.memory_space<vmem>> -> memref<1x128xi32, #tpu.memory_space<vmem>>
      %dma_start3A_103 = tpu.memref_squeeze %dma_start3A_102 : memref<1x128xi32, #tpu.memory_space<vmem>> -> memref<128xi32, #tpu.memory_space<vmem>>
      %dma_start3A_104 = arith.constant 0 : i32
      %dma_start3A_105 = arith.constant 0 : i32
      %dma_start3A_106 = tpu.memref_slice %arg2[%dma_start3A_104, %dma_start3A_105] : memref<1000000x32xf32, #tpu.memory_space<hbm>> -> memref<1000000x32xf32, #tpu.memory_space<hbm>>
      tpu.enqueue_indirect_dma source(%dma_start3A_106 : memref<1000000x32xf32, #tpu.memory_space<hbm>>) target(%arg8 : memref<128x32xf32, #tpu.memory_space<vmem>>) offsets(%dma_start3A_103 : memref<128xi32, #tpu.memory_space<vmem>>) semaphore(%arg11 : memref<!tpu.dma_semaphore, #tpu.memory_space<semaphore_mem>>)
    }
    %scan3A_22 = arith.constant 24 : i32
    %dma_wait3A = arith.constant 48 : i32
    %dma_wait3A_23 = arith.constant 0 : i32
    %dma_wait3A_24 = tpu.memref_slice %arg6[%dma_wait3A, %dma_wait3A_23] : memref<50x128xi32, #tpu.memory_space<vmem>> -> memref<1x128xi32, #tpu.memory_space<vmem>>
    %dma_wait3A_25 = tpu.memref_squeeze %dma_wait3A_24 : memref<1x128xi32, #tpu.memory_space<vmem>> -> memref<128xi32, #tpu.memory_space<vmem>>
    %dma_wait3A_26 = arith.constant 0 : i32
    %dma_wait3A_27 = arith.constant 0 : i32
    %dma_wait3A_28 = tpu.memref_slice %arg2[%dma_wait3A_26, %dma_wait3A_27] : memref<1000000x32xf32, #tpu.memory_space<hbm>> -> memref<1000000x32xf32, #tpu.memory_space<hbm>>
    tpu.wait_indirect_dma semaphore(%arg10 : memref<!tpu.dma_semaphore, #tpu.memory_space<semaphore_mem>>) src(%dma_wait3A_28 : memref<1000000x32xf32, #tpu.memory_space<hbm>>) dst(%arg7 : memref<128x32xf32, #tpu.memory_space<vmem>>)
    %scan3A_29 = arith.constant 0 : i32
    %scan3A_30 = arith.constant 0 : i32
    %scan3A_31 = arith.constant 16 : i32
    %scan3A_32 = arith.addi %scan3A_30, %scan3A_31 : i32
    %scan3A_33 = arith.constant 1 : i32
    scf.for %scan3A_56 = %scan3A_30 to %scan3A_32 step %scan3A_33  : i32 {
      %mul3A_57 = arith.constant 8 : i32
      %mul3A_58 = arith.muli %scan3A_56, %mul3A_57 : i32
      %add3A_59 = arith.constant 0 : i32
      %add3A_60 = arith.addi %mul3A_58, %add3A_59 : i32
      %get3A_61 = arith.index_cast %add3A_60 : i32 to index
      %get3A_62 = arith.constant 0 : index
      %get3A_63 = tpu.vector_load %arg7[%get3A_61, %get3A_62] {strides = array<i32>} : memref<128x32xf32, #tpu.memory_space<vmem>>, vector<1x16xf32>,
      %get3A_64 = vector.shape_cast %get3A_63 : vector<1x16xf32> to vector<16xf32>
      %mul3A_65 = arith.mulf %get3A_64, %get3A_4 : vector<16xf32>
      %add3A_66 = arith.constant 0 : i32
      %add3A_67 = arith.addi %mul3A_58, %add3A_66 : i32
      %swap3A = arith.index_cast %add3A_67 : i32 to index
      %swap3A_68 = arith.constant 0 : index
      %swap3A_69 = tpu.vector_load %arg7[%swap3A, %swap3A_68] {strides = array<i32>} : memref<128x32xf32, #tpu.memory_space<vmem>>, vector<1x16xf32>,
      %swap3A_70 = vector.shape_cast %swap3A_69 : vector<1x16xf32> to vector<16xf32>
      %swap3A_71 = vector.shape_cast %mul3A_65 : vector<16xf32> to vector<1x16xf32>
      tpu.vector_store %arg7[%swap3A, %swap3A_68], %swap3A_71 {strides = array<i32>} : memref<128x32xf32, #tpu.memory_space<vmem>>, vector<1x16xf32>,
      %add3A_72 = arith.constant 0 : i32
      %add3A_73 = arith.addi %mul3A_58, %add3A_72 : i32
      %get3A_74 = arith.index_cast %add3A_73 : i32 to index
      %get3A_75 = arith.constant 16 : index
      %get3A_76 = tpu.vector_load %arg7[%get3A_74, %get3A_75] {strides = array<i32>} : memref<128x32xf32, #tpu.memory_space<vmem>>, vector<1x16xf32>,
      %get3A_77 = vector.shape_cast %get3A_76 : vector<1x16xf32> to vector<16xf32>
      %mul3A_78 = arith.mulf %get3A_77, %get3A_4 : vector<16xf32>
      %add3A_79 = arith.constant 0 : i32
      %add3A_80 = arith.addi %mul3A_58, %add3A_79 : i32
      %swap3A_81 = arith.index_cast %add3A_80 : i32 to index
      %swap3A_82 = arith.constant 16 : index
      %swap3A_83 = tpu.vector_load %arg7[%swap3A_81, %swap3A_82] {strides = array<i32>} : memref<128x32xf32, #tpu.memory_space<vmem>>, vector<1x16xf32>,
      %swap3A_84 = vector.shape_cast %swap3A_83 : vector<1x16xf32> to vector<16xf32>
      %swap3A_85 = vector.shape_cast %mul3A_78 : vector<16xf32> to vector<1x16xf32>
      tpu.vector_store %arg7[%swap3A_81, %swap3A_82], %swap3A_85 {strides = array<i32>} : memref<128x32xf32, #tpu.memory_space<vmem>>, vector<1x16xf32>,
      %add3A_86 = arith.constant 1 : i32
      %add3A_87 = arith.addi %mul3A_58, %add3A_86 : i32
      %get3A_88 = arith.index_cast %add3A_87 : i32 to index
      %get3A_89 = arith.constant 0 : index
      %get3A_90 = tpu.vector_load %arg7[%get3A_88, %get3A_89] {strides = array<i32>} : memref<128x32xf32, #tpu.memory_space<vmem>>, vector<1x16xf32>,
      %get3A_91 = vector.shape_cast %get3A_90 : vector<1x16xf32> to vector<16xf32>
      %mul3A_92 = arith.mulf %get3A_91, %get3A_4 : vector<16xf32>
      %add3A_93 = arith.constant 1 : i32
      %add3A_94 = arith.addi %mul3A_58, %add3A_93 : i32
      %swap3A_95 = arith.index_cast %add3A_94 : i32 to index
      %swap3A_96 = arith.constant 0 : index
      %swap3A_97 = tpu.vector_load %arg7[%swap3A_95, %swap3A_96] {strides = array<i32>} : memref<128x32xf32, #tpu.memory_space<vmem>>, vector<1x16xf32>,
      %swap3A_98 = vector.shape_cast %swap3A_97 : vector<1x16xf32> to vector<16xf32>
      %swap3A_99 = vector.shape_cast %mul3A_92 : vector<16xf32> to vector<1x16xf32>
      tpu.vector_store %arg7[%swap3A_95, %swap3A_96], %swap3A_99 {strides = array<i32>} : memref<128x32xf32, #tpu.memory_space<vmem>>, vector<1x16xf32>,
      %add3A_100 = arith.constant 1 : i32
      %add3A_101 = arith.addi %mul3A_58, %add3A_100 : i32
      %get3A_102 = arith.index_cast %add3A_101 : i32 to index
      %get3A_103 = arith.constant 16 : index
      %get3A_104 = tpu.vector_load %arg7[%get3A_102, %get3A_103] {strides = array<i32>} : memref<128x32xf32, #tpu.memory_space<vmem>>, vector<1x16xf32>,
      %get3A_105 = vector.shape_cast %get3A_104 : vector<1x16xf32> to vector<16xf32>
      %mul3A_106 = arith.mulf %get3A_105, %get3A_4 : vector<16xf32>
      %add3A_107 = arith.constant 1 : i32
      %add3A_108 = arith.addi %mul3A_58, %add3A_107 : i32
      %swap3A_109 = arith.index_cast %add3A_108 : i32 to index
      %swap3A_110 = arith.constant 16 : index
      %swap3A_111 = tpu.vector_load %arg7[%swap3A_109, %swap3A_110] {strides = array<i32>} : memref<128x32xf32, #tpu.memory_space<vmem>>, vector<1x16xf32>,
      %swap3A_112 = vector.shape_cast %swap3A_111 : vector<1x16xf32> to vector<16xf32>
      %swap3A_113 = vector.shape_cast %mul3A_106 : vector<16xf32> to vector<1x16xf32>
      tpu.vector_store %arg7[%swap3A_109, %swap3A_110], %swap3A_113 {strides = array<i32>} : memref<128x32xf32, #tpu.memory_space<vmem>>, vector<1x16xf32>,
      %add3A_114 = arith.constant 2 : i32
      %add3A_115 = arith.addi %mul3A_58, %add3A_114 : i32
      %get3A_116 = arith.index_cast %add3A_115 : i32 to index
      %get3A_117 = arith.constant 0 : index
      %get3A_118 = tpu.vector_load %arg7[%get3A_116, %get3A_117] {strides = array<i32>} : memref<128x32xf32, #tpu.memory_space<vmem>>, vector<1x16xf32>,
      %get3A_119 = vector.shape_cast %get3A_118 : vector<1x16xf32> to vector<16xf32>
      %mul3A_120 = arith.mulf %get3A_119, %get3A_4 : vector<16xf32>
      %add3A_121 = arith.constant 2 : i32
      %add3A_122 = arith.addi %mul3A_58, %add3A_121 : i32
      %swap3A_123 = arith.index_cast %add3A_122 : i32 to index
      %swap3A_124 = arith.constant 0 : index
      %swap3A_125 = tpu.vector_load %arg7[%swap3A_123, %swap3A_124] {strides = array<i32>} : memref<128x32xf32, #tpu.memory_space<vmem>>, vector<1x16xf32>,
      %swap3A_126 = vector.shape_cast %swap3A_125 : vector<1x16xf32> to vector<16xf32>
      %swap3A_127 = vector.shape_cast %mul3A_120 : vector<16xf32> to vector<1x16xf32>
      tpu.vector_store %arg7[%swap3A_123, %swap3A_124], %swap3A_127 {strides = array<i32>} : memref<128x32xf32, #tpu.memory_space<vmem>>, vector<1x16xf32>,
      %add3A_128 = arith.constant 2 : i32
      %add3A_129 = arith.addi %mul3A_58, %add3A_128 : i32
      %get3A_130 = arith.index_cast %add3A_129 : i32 to index
      %get3A_131 = arith.constant 16 : index
      %get3A_132 = tpu.vector_load %arg7[%get3A_130, %get3A_131] {strides = array<i32>} : memref<128x32xf32, #tpu.memory_space<vmem>>, vector<1x16xf32>,
      %get3A_133 = vector.shape_cast %get3A_132 : vector<1x16xf32> to vector<16xf32>
      %mul3A_134 = arith.mulf %get3A_133, %get3A_4 : vector<16xf32>
      %add3A_135 = arith.constant 2 : i32
      %add3A_136 = arith.addi %mul3A_58, %add3A_135 : i32
      %swap3A_137 = arith.index_cast %add3A_136 : i32 to index
      %swap3A_138 = arith.constant 16 : index
      %swap3A_139 = tpu.vector_load %arg7[%swap3A_137, %swap3A_138] {strides = array<i32>} : memref<128x32xf32, #tpu.memory_space<vmem>>, vector<1x16xf32>,
      %swap3A_140 = vector.shape_cast %swap3A_139 : vector<1x16xf32> to vector<16xf32>
      %swap3A_141 = vector.shape_cast %mul3A_134 : vector<16xf32> to vector<1x16xf32>
      tpu.vector_store %arg7[%swap3A_137, %swap3A_138], %swap3A_141 {strides = array<i32>} : memref<128x32xf32, #tpu.memory_space<vmem>>, vector<1x16xf32>,
      %add3A_142 = arith.constant 3 : i32
      %add3A_143 = arith.addi %mul3A_58, %add3A_142 : i32
      %get3A_144 = arith.index_cast %add3A_143 : i32 to index
      %get3A_145 = arith.constant 0 : index
      %get3A_146 = tpu.vector_load %arg7[%get3A_144, %get3A_145] {strides = array<i32>} : memref<128x32xf32, #tpu.memory_space<vmem>>, vector<1x16xf32>,
      %get3A_147 = vector.shape_cast %get3A_146 : vector<1x16xf32> to vector<16xf32>
      %mul3A_148 = arith.mulf %get3A_147, %get3A_4 : vector<16xf32>
      %add3A_149 = arith.constant 3 : i32
      %add3A_150 = arith.addi %mul3A_58, %add3A_149 : i32
      %swap3A_151 = arith.index_cast %add3A_150 : i32 to index
      %swap3A_152 = arith.constant 0 : index
      %swap3A_153 = tpu.vector_load %arg7[%swap3A_151, %swap3A_152] {strides = array<i32>} : memref<128x32xf32, #tpu.memory_space<vmem>>, vector<1x16xf32>,
      %swap3A_154 = vector.shape_cast %swap3A_153 : vector<1x16xf32> to vector<16xf32>
      %swap3A_155 = vector.shape_cast %mul3A_148 : vector<16xf32> to vector<1x16xf32>
      tpu.vector_store %arg7[%swap3A_151, %swap3A_152], %swap3A_155 {strides = array<i32>} : memref<128x32xf32, #tpu.memory_space<vmem>>, vector<1x16xf32>,
      %add3A_156 = arith.constant 3 : i32
      %add3A_157 = arith.addi %mul3A_58, %add3A_156 : i32
      %get3A_158 = arith.index_cast %add3A_157 : i32 to index
      %get3A_159 = arith.constant 16 : index
      %get3A_160 = tpu.vector_load %arg7[%get3A_158, %get3A_159] {strides = array<i32>} : memref<128x32xf32, #tpu.memory_space<vmem>>, vector<1x16xf32>,
      %get3A_161 = vector.shape_cast %get3A_160 : vector<1x16xf32> to vector<16xf32>
      %mul3A_162 = arith.mulf %get3A_161, %get3A_4 : vector<16xf32>
      %add3A_163 = arith.constant 3 : i32
      %add3A_164 = arith.addi %mul3A_58, %add3A_163 : i32
      %swap3A_165 = arith.index_cast %add3A_164 : i32 to index
      %swap3A_166 = arith.constant 16 : index
      %swap3A_167 = tpu.vector_load %arg7[%swap3A_165, %swap3A_166] {strides = array<i32>} : memref<128x32xf32, #tpu.memory_space<vmem>>, vector<1x16xf32>,
      %swap3A_168 = vector.shape_cast %swap3A_167 : vector<1x16xf32> to vector<16xf32>
      %swap3A_169 = vector.shape_cast %mul3A_162 : vector<16xf32> to vector<1x16xf32>
      tpu.vector_store %arg7[%swap3A_165, %swap3A_166], %swap3A_169 {strides = array<i32>} : memref<128x32xf32, #tpu.memory_space<vmem>>, vector<1x16xf32>,
      %add3A_170 = arith.constant 4 : i32
      %add3A_171 = arith.addi %mul3A_58, %add3A_170 : i32
      %get3A_172 = arith.index_cast %add3A_171 : i32 to index
      %get3A_173 = arith.constant 0 : index
      %get3A_174 = tpu.vector_load %arg7[%get3A_172, %get3A_173] {strides = array<i32>} : memref<128x32xf32, #tpu.memory_space<vmem>>, vector<1x16xf32>,
      %get3A_175 = vector.shape_cast %get3A_174 : vector<1x16xf32> to vector<16xf32>
      %mul3A_176 = arith.mulf %get3A_175, %get3A_4 : vector<16xf32>
      %add3A_177 = arith.constant 4 : i32
      %add3A_178 = arith.addi %mul3A_58, %add3A_177 : i32
      %swap3A_179 = arith.index_cast %add3A_178 : i32 to index
      %swap3A_180 = arith.constant 0 : index
      %swap3A_181 = tpu.vector_load %arg7[%swap3A_179, %swap3A_180] {strides = array<i32>} : memref<128x32xf32, #tpu.memory_space<vmem>>, vector<1x16xf32>,
      %swap3A_182 = vector.shape_cast %swap3A_181 : vector<1x16xf32> to vector<16xf32>
      %swap3A_183 = vector.shape_cast %mul3A_176 : vector<16xf32> to vector<1x16xf32>
      tpu.vector_store %arg7[%swap3A_179, %swap3A_180], %swap3A_183 {strides = array<i32>} : memref<128x32xf32, #tpu.memory_space<vmem>>, vector<1x16xf32>,
      %add3A_184 = arith.constant 4 : i32
      %add3A_185 = arith.addi %mul3A_58, %add3A_184 : i32
      %get3A_186 = arith.index_cast %add3A_185 : i32 to index
      %get3A_187 = arith.constant 16 : index
      %get3A_188 = tpu.vector_load %arg7[%get3A_186, %get3A_187] {strides = array<i32>} : memref<128x32xf32, #tpu.memory_space<vmem>>, vector<1x16xf32>,
      %get3A_189 = vector.shape_cast %get3A_188 : vector<1x16xf32> to vector<16xf32>
      %mul3A_190 = arith.mulf %get3A_189, %get3A_4 : vector<16xf32>
      %add3A_191 = arith.constant 4 : i32
      %add3A_192 = arith.addi %mul3A_58, %add3A_191 : i32
      %swap3A_193 = arith.index_cast %add3A_192 : i32 to index
      %swap3A_194 = arith.constant 16 : index
      %swap3A_195 = tpu.vector_load %arg7[%swap3A_193, %swap3A_194] {strides = array<i32>} : memref<128x32xf32, #tpu.memory_space<vmem>>, vector<1x16xf32>,
      %swap3A_196 = vector.shape_cast %swap3A_195 : vector<1x16xf32> to vector<16xf32>
      %swap3A_197 = vector.shape_cast %mul3A_190 : vector<16xf32> to vector<1x16xf32>
      tpu.vector_store %arg7[%swap3A_193, %swap3A_194], %swap3A_197 {strides = array<i32>} : memref<128x32xf32, #tpu.memory_space<vmem>>, vector<1x16xf32>,
      %add3A_198 = arith.constant 5 : i32
      %add3A_199 = arith.addi %mul3A_58, %add3A_198 : i32
      %get3A_200 = arith.index_cast %add3A_199 : i32 to index
      %get3A_201 = arith.constant 0 : index
      %get3A_202 = tpu.vector_load %arg7[%get3A_200, %get3A_201] {strides = array<i32>} : memref<128x32xf32, #tpu.memory_space<vmem>>, vector<1x16xf32>,
      %get3A_203 = vector.shape_cast %get3A_202 : vector<1x16xf32> to vector<16xf32>
      %mul3A_204 = arith.mulf %get3A_203, %get3A_4 : vector<16xf32>
      %add3A_205 = arith.constant 5 : i32
      %add3A_206 = arith.addi %mul3A_58, %add3A_205 : i32
      %swap3A_207 = arith.index_cast %add3A_206 : i32 to index
      %swap3A_208 = arith.constant 0 : index
      %swap3A_209 = tpu.vector_load %arg7[%swap3A_207, %swap3A_208] {strides = array<i32>} : memref<128x32xf32, #tpu.memory_space<vmem>>, vector<1x16xf32>,
      %swap3A_210 = vector.shape_cast %swap3A_209 : vector<1x16xf32> to vector<16xf32>
      %swap3A_211 = vector.shape_cast %mul3A_204 : vector<16xf32> to vector<1x16xf32>
      tpu.vector_store %arg7[%swap3A_207, %swap3A_208], %swap3A_211 {strides = array<i32>} : memref<128x32xf32, #tpu.memory_space<vmem>>, vector<1x16xf32>,
      %add3A_212 = arith.constant 5 : i32
      %add3A_213 = arith.addi %mul3A_58, %add3A_212 : i32
      %get3A_214 = arith.index_cast %add3A_213 : i32 to index
      %get3A_215 = arith.constant 16 : index
      %get3A_216 = tpu.vector_load %arg7[%get3A_214, %get3A_215] {strides = array<i32>} : memref<128x32xf32, #tpu.memory_space<vmem>>, vector<1x16xf32>,
      %get3A_217 = vector.shape_cast %get3A_216 : vector<1x16xf32> to vector<16xf32>
      %mul3A_218 = arith.mulf %get3A_217, %get3A_4 : vector<16xf32>
      %add3A_219 = arith.constant 5 : i32
      %add3A_220 = arith.addi %mul3A_58, %add3A_219 : i32
      %swap3A_221 = arith.index_cast %add3A_220 : i32 to index
      %swap3A_222 = arith.constant 16 : index
      %swap3A_223 = tpu.vector_load %arg7[%swap3A_221, %swap3A_222] {strides = array<i32>} : memref<128x32xf32, #tpu.memory_space<vmem>>, vector<1x16xf32>,
      %swap3A_224 = vector.shape_cast %swap3A_223 : vector<1x16xf32> to vector<16xf32>
      %swap3A_225 = vector.shape_cast %mul3A_218 : vector<16xf32> to vector<1x16xf32>
      tpu.vector_store %arg7[%swap3A_221, %swap3A_222], %swap3A_225 {strides = array<i32>} : memref<128x32xf32, #tpu.memory_space<vmem>>, vector<1x16xf32>,
      %add3A_226 = arith.constant 6 : i32
      %add3A_227 = arith.addi %mul3A_58, %add3A_226 : i32
      %get3A_228 = arith.index_cast %add3A_227 : i32 to index
      %get3A_229 = arith.constant 0 : index
      %get3A_230 = tpu.vector_load %arg7[%get3A_228, %get3A_229] {strides = array<i32>} : memref<128x32xf32, #tpu.memory_space<vmem>>, vector<1x16xf32>,
      %get3A_231 = vector.shape_cast %get3A_230 : vector<1x16xf32> to vector<16xf32>
      %mul3A_232 = arith.mulf %get3A_231, %get3A_4 : vector<16xf32>
      %add3A_233 = arith.constant 6 : i32
      %add3A_234 = arith.addi %mul3A_58, %add3A_233 : i32
      %swap3A_235 = arith.index_cast %add3A_234 : i32 to index
      %swap3A_236 = arith.constant 0 : index
      %swap3A_237 = tpu.vector_load %arg7[%swap3A_235, %swap3A_236] {strides = array<i32>} : memref<128x32xf32, #tpu.memory_space<vmem>>, vector<1x16xf32>,
      %swap3A_238 = vector.shape_cast %swap3A_237 : vector<1x16xf32> to vector<16xf32>
      %swap3A_239 = vector.shape_cast %mul3A_232 : vector<16xf32> to vector<1x16xf32>
      tpu.vector_store %arg7[%swap3A_235, %swap3A_236], %swap3A_239 {strides = array<i32>} : memref<128x32xf32, #tpu.memory_space<vmem>>, vector<1x16xf32>,
      %add3A_240 = arith.constant 6 : i32
      %add3A_241 = arith.addi %mul3A_58, %add3A_240 : i32
      %get3A_242 = arith.index_cast %add3A_241 : i32 to index
      %get3A_243 = arith.constant 16 : index
      %get3A_244 = tpu.vector_load %arg7[%get3A_242, %get3A_243] {strides = array<i32>} : memref<128x32xf32, #tpu.memory_space<vmem>>, vector<1x16xf32>,
      %get3A_245 = vector.shape_cast %get3A_244 : vector<1x16xf32> to vector<16xf32>
      %mul3A_246 = arith.mulf %get3A_245, %get3A_4 : vector<16xf32>
      %add3A_247 = arith.constant 6 : i32
      %add3A_248 = arith.addi %mul3A_58, %add3A_247 : i32
      %swap3A_249 = arith.index_cast %add3A_248 : i32 to index
      %swap3A_250 = arith.constant 16 : index
      %swap3A_251 = tpu.vector_load %arg7[%swap3A_249, %swap3A_250] {strides = array<i32>} : memref<128x32xf32, #tpu.memory_space<vmem>>, vector<1x16xf32>,
      %swap3A_252 = vector.shape_cast %swap3A_251 : vector<1x16xf32> to vector<16xf32>
      %swap3A_253 = vector.shape_cast %mul3A_246 : vector<16xf32> to vector<1x16xf32>
      tpu.vector_store %arg7[%swap3A_249, %swap3A_250], %swap3A_253 {strides = array<i32>} : memref<128x32xf32, #tpu.memory_space<vmem>>, vector<1x16xf32>,
      %add3A_254 = arith.constant 7 : i32
      %add3A_255 = arith.addi %mul3A_58, %add3A_254 : i32
      %get3A_256 = arith.index_cast %add3A_255 : i32 to index
      %get3A_257 = arith.constant 0 : index
      %get3A_258 = tpu.vector_load %arg7[%get3A_256, %get3A_257] {strides = array<i32>} : memref<128x32xf32, #tpu.memory_space<vmem>>, vector<1x16xf32>,
      %get3A_259 = vector.shape_cast %get3A_258 : vector<1x16xf32> to vector<16xf32>
      %mul3A_260 = arith.mulf %get3A_259, %get3A_4 : vector<16xf32>
      %add3A_261 = arith.constant 7 : i32
      %add3A_262 = arith.addi %mul3A_58, %add3A_261 : i32
      %swap3A_263 = arith.index_cast %add3A_262 : i32 to index
      %swap3A_264 = arith.constant 0 : index
      %swap3A_265 = tpu.vector_load %arg7[%swap3A_263, %swap3A_264] {strides = array<i32>} : memref<128x32xf32, #tpu.memory_space<vmem>>, vector<1x16xf32>,
      %swap3A_266 = vector.shape_cast %swap3A_265 : vector<1x16xf32> to vector<16xf32>
      %swap3A_267 = vector.shape_cast %mul3A_260 : vector<16xf32> to vector<1x16xf32>
      tpu.vector_store %arg7[%swap3A_263, %swap3A_264], %swap3A_267 {strides = array<i32>} : memref<128x32xf32, #tpu.memory_space<vmem>>, vector<1x16xf32>,
      %add3A_268 = arith.constant 7 : i32
      %add3A_269 = arith.addi %mul3A_58, %add3A_268 : i32
      %get3A_270 = arith.index_cast %add3A_269 : i32 to index
      %get3A_271 = arith.constant 16 : index
      %get3A_272 = tpu.vector_load %arg7[%get3A_270, %get3A_271] {strides = array<i32>} : memref<128x32xf32, #tpu.memory_space<vmem>>, vector<1x16xf32>,
      %get3A_273 = vector.shape_cast %get3A_272 : vector<1x16xf32> to vector<16xf32>
      %mul3A_274 = arith.mulf %get3A_273, %get3A_4 : vector<16xf32>
      %add3A_275 = arith.constant 7 : i32
      %add3A_276 = arith.addi %mul3A_58, %add3A_275 : i32
      %swap3A_277 = arith.index_cast %add3A_276 : i32 to index
      %swap3A_278 = arith.constant 16 : index
      %swap3A_279 = tpu.vector_load %arg7[%swap3A_277, %swap3A_278] {strides = array<i32>} : memref<128x32xf32, #tpu.memory_space<vmem>>, vector<1x16xf32>,
      %swap3A_280 = vector.shape_cast %swap3A_279 : vector<1x16xf32> to vector<16xf32>
      %swap3A_281 = vector.shape_cast %mul3A_274 : vector<16xf32> to vector<1x16xf32>
      tpu.vector_store %arg7[%swap3A_277, %swap3A_278], %swap3A_281 {strides = array<i32>} : memref<128x32xf32, #tpu.memory_space<vmem>>, vector<1x16xf32>,
    }
    %scan3A_34 = arith.constant 16 : i32
    %add3A_35 = arith.constant 48 : i32
    %add3A_36 = arith.addi %mul3A_2, %add3A_35 : i32
    %mul3A_37 = arith.constant 128 : i32
    %mul3A_38 = arith.muli %add3A_36, %mul3A_37 : i32
    "tpu.region"() ({
      %run_scoped3A = tpu.sem_alloc : memref<!tpu.dma_semaphore, #tpu.memory_space<semaphore_mem>>
      %dma_start3A_56 = arith.constant 0 : i32
      %dma_start3A_57 = tpu.memref_slice %arg5[%mul3A_38, %dma_start3A_56] : memref<204800x32xf32, #tpu.memory_space<hbm>> -> memref<128x32xf32, #tpu.memory_space<hbm>>
      %dma_start3A_58 = arith.constant 0 : i32
      %dma_start3A_59 = tpu.memref_slice %arg5[%mul3A_38, %dma_start3A_58] : memref<204800x32xf32, #tpu.memory_space<hbm>> -> memref<128x32xf32, #tpu.memory_space<hbm>>
      tpu.enqueue_dma source(%arg7 : memref<128x32xf32, #tpu.memory_space<vmem>>) target(%dma_start3A_59 : memref<128x32xf32, #tpu.memory_space<hbm>>) target_semaphore(%run_scoped3A : memref<!tpu.dma_semaphore, #tpu.memory_space<semaphore_mem>>)
      %dma_wait3A_60 = arith.constant 0 : i32
      %dma_wait3A_61 = tpu.memref_slice %arg5[%mul3A_38, %dma_wait3A_60] : memref<204800x32xf32, #tpu.memory_space<hbm>> -> memref<128x32xf32, #tpu.memory_space<hbm>>
      %dma_wait3A_62 = arith.constant 0 : i32
      %dma_wait3A_63 = tpu.memref_slice %arg5[%mul3A_38, %dma_wait3A_62] : memref<204800x32xf32, #tpu.memory_space<hbm>> -> memref<128x32xf32, #tpu.memory_space<hbm>>
      tpu.wait_dma2 semaphore(%run_scoped3A : memref<!tpu.dma_semaphore, #tpu.memory_space<semaphore_mem>>) src(%arg7 : memref<128x32xf32, #tpu.memory_space<vmem>>) dst(%dma_wait3A_63 : memref<128x32xf32, #tpu.memory_space<hbm>>)
      tpu.yield
    }) : () -> ()
    %dma_wait3A_39 = arith.constant 49 : i32
    %dma_wait3A_40 = arith.constant 0 : i32
    %dma_wait3A_41 = tpu.memref_slice %arg6[%dma_wait3A_39, %dma_wait3A_40] : memref<50x128xi32, #tpu.memory_space<vmem>> -> memref<1x128xi32, #tpu.memory_space<vmem>>
    %dma_wait3A_42 = tpu.memref_squeeze %dma_wait3A_41 : memref<1x128xi32, #tpu.memory_space<vmem>> -> memref<128xi32, #tpu.memory_space<vmem>>
    %dma_wait3A_43 = arith.constant 0 : i32
    %dma_wait3A_44 = arith.constant 0 : i32
    %dma_wait3A_45 = tpu.memref_slice %arg2[%dma_wait3A_43, %dma_wait3A_44] : memref<1000000x32xf32, #tpu.memory_space<hbm>> -> memref<1000000x32xf32, #tpu.memory_space<hbm>>
    tpu.wait_indirect_dma semaphore(%arg11 : memref<!tpu.dma_semaphore, #tpu.memory_space<semaphore_mem>>) src(%dma_wait3A_45 : memref<1000000x32xf32, #tpu.memory_space<hbm>>) dst(%arg8 : memref<128x32xf32, #tpu.memory_space<vmem>>)
    %scan3A_46 = arith.constant 0 : i32
    %scan3A_47 = arith.constant 0 : i32
    %scan3A_48 = arith.constant 16 : i32
    %scan3A_49 = arith.addi %scan3A_47, %scan3A_48 : i32
    %scan3A_50 = arith.constant 1 : i32
    scf.for %scan3A_56 = %scan3A_47 to %scan3A_49 step %scan3A_50  : i32 {
      %mul3A_57 = arith.constant 8 : i32
      %mul3A_58 = arith.muli %scan3A_56, %mul3A_57 : i32
      %add3A_59 = arith.constant 0 : i32
      %add3A_60 = arith.addi %mul3A_58, %add3A_59 : i32
      %get3A_61 = arith.index_cast %add3A_60 : i32 to index
      %get3A_62 = arith.constant 0 : index
      %get3A_63 = tpu.vector_load %arg8[%get3A_61, %get3A_62] {strides = array<i32>} : memref<128x32xf32, #tpu.memory_space<vmem>>, vector<1x16xf32>,
      %get3A_64 = vector.shape_cast %get3A_63 : vector<1x16xf32> to vector<16xf32>
      %mul3A_65 = arith.mulf %get3A_64, %get3A_4 : vector<16xf32>
      %add3A_66 = arith.constant 0 : i32
      %add3A_67 = arith.addi %mul3A_58, %add3A_66 : i32
      %swap3A = arith.index_cast %add3A_67 : i32 to index
      %swap3A_68 = arith.constant 0 : index
      %swap3A_69 = tpu.vector_load %arg8[%swap3A, %swap3A_68] {strides = array<i32>} : memref<128x32xf32, #tpu.memory_space<vmem>>, vector<1x16xf32>,
      %swap3A_70 = vector.shape_cast %swap3A_69 : vector<1x16xf32> to vector<16xf32>
      %swap3A_71 = vector.shape_cast %mul3A_65 : vector<16xf32> to vector<1x16xf32>
      tpu.vector_store %arg8[%swap3A, %swap3A_68], %swap3A_71 {strides = array<i32>} : memref<128x32xf32, #tpu.memory_space<vmem>>, vector<1x16xf32>,
      %add3A_72 = arith.constant 0 : i32
      %add3A_73 = arith.addi %mul3A_58, %add3A_72 : i32
      %get3A_74 = arith.index_cast %add3A_73 : i32 to index
      %get3A_75 = arith.constant 16 : index
      %get3A_76 = tpu.vector_load %arg8[%get3A_74, %get3A_75] {strides = array<i32>} : memref<128x32xf32, #tpu.memory_space<vmem>>, vector<1x16xf32>,
      %get3A_77 = vector.shape_cast %get3A_76 : vector<1x16xf32> to vector<16xf32>
      %mul3A_78 = arith.mulf %get3A_77, %get3A_4 : vector<16xf32>
      %add3A_79 = arith.constant 0 : i32
      %add3A_80 = arith.addi %mul3A_58, %add3A_79 : i32
      %swap3A_81 = arith.index_cast %add3A_80 : i32 to index
      %swap3A_82 = arith.constant 16 : index
      %swap3A_83 = tpu.vector_load %arg8[%swap3A_81, %swap3A_82] {strides = array<i32>} : memref<128x32xf32, #tpu.memory_space<vmem>>, vector<1x16xf32>,
      %swap3A_84 = vector.shape_cast %swap3A_83 : vector<1x16xf32> to vector<16xf32>
      %swap3A_85 = vector.shape_cast %mul3A_78 : vector<16xf32> to vector<1x16xf32>
      tpu.vector_store %arg8[%swap3A_81, %swap3A_82], %swap3A_85 {strides = array<i32>} : memref<128x32xf32, #tpu.memory_space<vmem>>, vector<1x16xf32>,
      %add3A_86 = arith.constant 1 : i32
      %add3A_87 = arith.addi %mul3A_58, %add3A_86 : i32
      %get3A_88 = arith.index_cast %add3A_87 : i32 to index
      %get3A_89 = arith.constant 0 : index
      %get3A_90 = tpu.vector_load %arg8[%get3A_88, %get3A_89] {strides = array<i32>} : memref<128x32xf32, #tpu.memory_space<vmem>>, vector<1x16xf32>,
      %get3A_91 = vector.shape_cast %get3A_90 : vector<1x16xf32> to vector<16xf32>
      %mul3A_92 = arith.mulf %get3A_91, %get3A_4 : vector<16xf32>
      %add3A_93 = arith.constant 1 : i32
      %add3A_94 = arith.addi %mul3A_58, %add3A_93 : i32
      %swap3A_95 = arith.index_cast %add3A_94 : i32 to index
      %swap3A_96 = arith.constant 0 : index
      %swap3A_97 = tpu.vector_load %arg8[%swap3A_95, %swap3A_96] {strides = array<i32>} : memref<128x32xf32, #tpu.memory_space<vmem>>, vector<1x16xf32>,
      %swap3A_98 = vector.shape_cast %swap3A_97 : vector<1x16xf32> to vector<16xf32>
      %swap3A_99 = vector.shape_cast %mul3A_92 : vector<16xf32> to vector<1x16xf32>
      tpu.vector_store %arg8[%swap3A_95, %swap3A_96], %swap3A_99 {strides = array<i32>} : memref<128x32xf32, #tpu.memory_space<vmem>>, vector<1x16xf32>,
      %add3A_100 = arith.constant 1 : i32
      %add3A_101 = arith.addi %mul3A_58, %add3A_100 : i32
      %get3A_102 = arith.index_cast %add3A_101 : i32 to index
      %get3A_103 = arith.constant 16 : index
      %get3A_104 = tpu.vector_load %arg8[%get3A_102, %get3A_103] {strides = array<i32>} : memref<128x32xf32, #tpu.memory_space<vmem>>, vector<1x16xf32>,
      %get3A_105 = vector.shape_cast %get3A_104 : vector<1x16xf32> to vector<16xf32>
      %mul3A_106 = arith.mulf %get3A_105, %get3A_4 : vector<16xf32>
      %add3A_107 = arith.constant 1 : i32
      %add3A_108 = arith.addi %mul3A_58, %add3A_107 : i32
      %swap3A_109 = arith.index_cast %add3A_108 : i32 to index
      %swap3A_110 = arith.constant 16 : index
      %swap3A_111 = tpu.vector_load %arg8[%swap3A_109, %swap3A_110] {strides = array<i32>} : memref<128x32xf32, #tpu.memory_space<vmem>>, vector<1x16xf32>,
      %swap3A_112 = vector.shape_cast %swap3A_111 : vector<1x16xf32> to vector<16xf32>
      %swap3A_113 = vector.shape_cast %mul3A_106 : vector<16xf32> to vector<1x16xf32>
      tpu.vector_store %arg8[%swap3A_109, %swap3A_110], %swap3A_113 {strides = array<i32>} : memref<128x32xf32, #tpu.memory_space<vmem>>, vector<1x16xf32>,
      %add3A_114 = arith.constant 2 : i32
      %add3A_115 = arith.addi %mul3A_58, %add3A_114 : i32
      %get3A_116 = arith.index_cast %add3A_115 : i32 to index
      %get3A_117 = arith.constant 0 : index
      %get3A_118 = tpu.vector_load %arg8[%get3A_116, %get3A_117] {strides = array<i32>} : memref<128x32xf32, #tpu.memory_space<vmem>>, vector<1x16xf32>,
      %get3A_119 = vector.shape_cast %get3A_118 : vector<1x16xf32> to vector<16xf32>
      %mul3A_120 = arith.mulf %get3A_119, %get3A_4 : vector<16xf32>
      %add3A_121 = arith.constant 2 : i32
      %add3A_122 = arith.addi %mul3A_58, %add3A_121 : i32
      %swap3A_123 = arith.index_cast %add3A_122 : i32 to index
      %swap3A_124 = arith.constant 0 : index
      %swap3A_125 = tpu.vector_load %arg8[%swap3A_123, %swap3A_124] {strides = array<i32>} : memref<128x32xf32, #tpu.memory_space<vmem>>, vector<1x16xf32>,
      %swap3A_126 = vector.shape_cast %swap3A_125 : vector<1x16xf32> to vector<16xf32>
      %swap3A_127 = vector.shape_cast %mul3A_120 : vector<16xf32> to vector<1x16xf32>
      tpu.vector_store %arg8[%swap3A_123, %swap3A_124], %swap3A_127 {strides = array<i32>} : memref<128x32xf32, #tpu.memory_space<vmem>>, vector<1x16xf32>,
      %add3A_128 = arith.constant 2 : i32
      %add3A_129 = arith.addi %mul3A_58, %add3A_128 : i32
      %get3A_130 = arith.index_cast %add3A_129 : i32 to index
      %get3A_131 = arith.constant 16 : index
      %get3A_132 = tpu.vector_load %arg8[%get3A_130, %get3A_131] {strides = array<i32>} : memref<128x32xf32, #tpu.memory_space<vmem>>, vector<1x16xf32>,
      %get3A_133 = vector.shape_cast %get3A_132 : vector<1x16xf32> to vector<16xf32>
      %mul3A_134 = arith.mulf %get3A_133, %get3A_4 : vector<16xf32>
      %add3A_135 = arith.constant 2 : i32
      %add3A_136 = arith.addi %mul3A_58, %add3A_135 : i32
      %swap3A_137 = arith.index_cast %add3A_136 : i32 to index
      %swap3A_138 = arith.constant 16 : index
      %swap3A_139 = tpu.vector_load %arg8[%swap3A_137, %swap3A_138] {strides = array<i32>} : memref<128x32xf32, #tpu.memory_space<vmem>>, vector<1x16xf32>,
      %swap3A_140 = vector.shape_cast %swap3A_139 : vector<1x16xf32> to vector<16xf32>
      %swap3A_141 = vector.shape_cast %mul3A_134 : vector<16xf32> to vector<1x16xf32>
      tpu.vector_store %arg8[%swap3A_137, %swap3A_138], %swap3A_141 {strides = array<i32>} : memref<128x32xf32, #tpu.memory_space<vmem>>, vector<1x16xf32>,
      %add3A_142 = arith.constant 3 : i32
      %add3A_143 = arith.addi %mul3A_58, %add3A_142 : i32
      %get3A_144 = arith.index_cast %add3A_143 : i32 to index
      %get3A_145 = arith.constant 0 : index
      %get3A_146 = tpu.vector_load %arg8[%get3A_144, %get3A_145] {strides = array<i32>} : memref<128x32xf32, #tpu.memory_space<vmem>>, vector<1x16xf32>,
      %get3A_147 = vector.shape_cast %get3A_146 : vector<1x16xf32> to vector<16xf32>
      %mul3A_148 = arith.mulf %get3A_147, %get3A_4 : vector<16xf32>
      %add3A_149 = arith.constant 3 : i32
      %add3A_150 = arith.addi %mul3A_58, %add3A_149 : i32
      %swap3A_151 = arith.index_cast %add3A_150 : i32 to index
      %swap3A_152 = arith.constant 0 : index
      %swap3A_153 = tpu.vector_load %arg8[%swap3A_151, %swap3A_152] {strides = array<i32>} : memref<128x32xf32, #tpu.memory_space<vmem>>, vector<1x16xf32>,
      %swap3A_154 = vector.shape_cast %swap3A_153 : vector<1x16xf32> to vector<16xf32>
      %swap3A_155 = vector.shape_cast %mul3A_148 : vector<16xf32> to vector<1x16xf32>
      tpu.vector_store %arg8[%swap3A_151, %swap3A_152], %swap3A_155 {strides = array<i32>} : memref<128x32xf32, #tpu.memory_space<vmem>>, vector<1x16xf32>,
      %add3A_156 = arith.constant 3 : i32
      %add3A_157 = arith.addi %mul3A_58, %add3A_156 : i32
      %get3A_158 = arith.index_cast %add3A_157 : i32 to index
      %get3A_159 = arith.constant 16 : index
      %get3A_160 = tpu.vector_load %arg8[%get3A_158, %get3A_159] {strides = array<i32>} : memref<128x32xf32, #tpu.memory_space<vmem>>, vector<1x16xf32>,
      %get3A_161 = vector.shape_cast %get3A_160 : vector<1x16xf32> to vector<16xf32>
      %mul3A_162 = arith.mulf %get3A_161, %get3A_4 : vector<16xf32>
      %add3A_163 = arith.constant 3 : i32
      %add3A_164 = arith.addi %mul3A_58, %add3A_163 : i32
      %swap3A_165 = arith.index_cast %add3A_164 : i32 to index
      %swap3A_166 = arith.constant 16 : index
      %swap3A_167 = tpu.vector_load %arg8[%swap3A_165, %swap3A_166] {strides = array<i32>} : memref<128x32xf32, #tpu.memory_space<vmem>>, vector<1x16xf32>,
      %swap3A_168 = vector.shape_cast %swap3A_167 : vector<1x16xf32> to vector<16xf32>
      %swap3A_169 = vector.shape_cast %mul3A_162 : vector<16xf32> to vector<1x16xf32>
      tpu.vector_store %arg8[%swap3A_165, %swap3A_166], %swap3A_169 {strides = array<i32>} : memref<128x32xf32, #tpu.memory_space<vmem>>, vector<1x16xf32>,
      %add3A_170 = arith.constant 4 : i32
      %add3A_171 = arith.addi %mul3A_58, %add3A_170 : i32
      %get3A_172 = arith.index_cast %add3A_171 : i32 to index
      %get3A_173 = arith.constant 0 : index
      %get3A_174 = tpu.vector_load %arg8[%get3A_172, %get3A_173] {strides = array<i32>} : memref<128x32xf32, #tpu.memory_space<vmem>>, vector<1x16xf32>,
      %get3A_175 = vector.shape_cast %get3A_174 : vector<1x16xf32> to vector<16xf32>
      %mul3A_176 = arith.mulf %get3A_175, %get3A_4 : vector<16xf32>
      %add3A_177 = arith.constant 4 : i32
      %add3A_178 = arith.addi %mul3A_58, %add3A_177 : i32
      %swap3A_179 = arith.index_cast %add3A_178 : i32 to index
      %swap3A_180 = arith.constant 0 : index
      %swap3A_181 = tpu.vector_load %arg8[%swap3A_179, %swap3A_180] {strides = array<i32>} : memref<128x32xf32, #tpu.memory_space<vmem>>, vector<1x16xf32>,
      %swap3A_182 = vector.shape_cast %swap3A_181 : vector<1x16xf32> to vector<16xf32>
      %swap3A_183 = vector.shape_cast %mul3A_176 : vector<16xf32> to vector<1x16xf32>
      tpu.vector_store %arg8[%swap3A_179, %swap3A_180], %swap3A_183 {strides = array<i32>} : memref<128x32xf32, #tpu.memory_space<vmem>>, vector<1x16xf32>,
      %add3A_184 = arith.constant 4 : i32
      %add3A_185 = arith.addi %mul3A_58, %add3A_184 : i32
      %get3A_186 = arith.index_cast %add3A_185 : i32 to index
      %get3A_187 = arith.constant 16 : index
      %get3A_188 = tpu.vector_load %arg8[%get3A_186, %get3A_187] {strides = array<i32>} : memref<128x32xf32, #tpu.memory_space<vmem>>, vector<1x16xf32>,
      %get3A_189 = vector.shape_cast %get3A_188 : vector<1x16xf32> to vector<16xf32>
      %mul3A_190 = arith.mulf %get3A_189, %get3A_4 : vector<16xf32>
      %add3A_191 = arith.constant 4 : i32
      %add3A_192 = arith.addi %mul3A_58, %add3A_191 : i32
      %swap3A_193 = arith.index_cast %add3A_192 : i32 to index
      %swap3A_194 = arith.constant 16 : index
      %swap3A_195 = tpu.vector_load %arg8[%swap3A_193, %swap3A_194] {strides = array<i32>} : memref<128x32xf32, #tpu.memory_space<vmem>>, vector<1x16xf32>,
      %swap3A_196 = vector.shape_cast %swap3A_195 : vector<1x16xf32> to vector<16xf32>
      %swap3A_197 = vector.shape_cast %mul3A_190 : vector<16xf32> to vector<1x16xf32>
      tpu.vector_store %arg8[%swap3A_193, %swap3A_194], %swap3A_197 {strides = array<i32>} : memref<128x32xf32, #tpu.memory_space<vmem>>, vector<1x16xf32>,
      %add3A_198 = arith.constant 5 : i32
      %add3A_199 = arith.addi %mul3A_58, %add3A_198 : i32
      %get3A_200 = arith.index_cast %add3A_199 : i32 to index
      %get3A_201 = arith.constant 0 : index
      %get3A_202 = tpu.vector_load %arg8[%get3A_200, %get3A_201] {strides = array<i32>} : memref<128x32xf32, #tpu.memory_space<vmem>>, vector<1x16xf32>,
      %get3A_203 = vector.shape_cast %get3A_202 : vector<1x16xf32> to vector<16xf32>
      %mul3A_204 = arith.mulf %get3A_203, %get3A_4 : vector<16xf32>
      %add3A_205 = arith.constant 5 : i32
      %add3A_206 = arith.addi %mul3A_58, %add3A_205 : i32
      %swap3A_207 = arith.index_cast %add3A_206 : i32 to index
      %swap3A_208 = arith.constant 0 : index
      %swap3A_209 = tpu.vector_load %arg8[%swap3A_207, %swap3A_208] {strides = array<i32>} : memref<128x32xf32, #tpu.memory_space<vmem>>, vector<1x16xf32>,
      %swap3A_210 = vector.shape_cast %swap3A_209 : vector<1x16xf32> to vector<16xf32>
      %swap3A_211 = vector.shape_cast %mul3A_204 : vector<16xf32> to vector<1x16xf32>
      tpu.vector_store %arg8[%swap3A_207, %swap3A_208], %swap3A_211 {strides = array<i32>} : memref<128x32xf32, #tpu.memory_space<vmem>>, vector<1x16xf32>,
      %add3A_212 = arith.constant 5 : i32
      %add3A_213 = arith.addi %mul3A_58, %add3A_212 : i32
      %get3A_214 = arith.index_cast %add3A_213 : i32 to index
      %get3A_215 = arith.constant 16 : index
      %get3A_216 = tpu.vector_load %arg8[%get3A_214, %get3A_215] {strides = array<i32>} : memref<128x32xf32, #tpu.memory_space<vmem>>, vector<1x16xf32>,
      %get3A_217 = vector.shape_cast %get3A_216 : vector<1x16xf32> to vector<16xf32>
      %mul3A_218 = arith.mulf %get3A_217, %get3A_4 : vector<16xf32>
      %add3A_219 = arith.constant 5 : i32
      %add3A_220 = arith.addi %mul3A_58, %add3A_219 : i32
      %swap3A_221 = arith.index_cast %add3A_220 : i32 to index
      %swap3A_222 = arith.constant 16 : index
      %swap3A_223 = tpu.vector_load %arg8[%swap3A_221, %swap3A_222] {strides = array<i32>} : memref<128x32xf32, #tpu.memory_space<vmem>>, vector<1x16xf32>,
      %swap3A_224 = vector.shape_cast %swap3A_223 : vector<1x16xf32> to vector<16xf32>
      %swap3A_225 = vector.shape_cast %mul3A_218 : vector<16xf32> to vector<1x16xf32>
      tpu.vector_store %arg8[%swap3A_221, %swap3A_222], %swap3A_225 {strides = array<i32>} : memref<128x32xf32, #tpu.memory_space<vmem>>, vector<1x16xf32>,
      %add3A_226 = arith.constant 6 : i32
      %add3A_227 = arith.addi %mul3A_58, %add3A_226 : i32
      %get3A_228 = arith.index_cast %add3A_227 : i32 to index
      %get3A_229 = arith.constant 0 : index
      %get3A_230 = tpu.vector_load %arg8[%get3A_228, %get3A_229] {strides = array<i32>} : memref<128x32xf32, #tpu.memory_space<vmem>>, vector<1x16xf32>,
      %get3A_231 = vector.shape_cast %get3A_230 : vector<1x16xf32> to vector<16xf32>
      %mul3A_232 = arith.mulf %get3A_231, %get3A_4 : vector<16xf32>
      %add3A_233 = arith.constant 6 : i32
      %add3A_234 = arith.addi %mul3A_58, %add3A_233 : i32
      %swap3A_235 = arith.index_cast %add3A_234 : i32 to index
      %swap3A_236 = arith.constant 0 : index
      %swap3A_237 = tpu.vector_load %arg8[%swap3A_235, %swap3A_236] {strides = array<i32>} : memref<128x32xf32, #tpu.memory_space<vmem>>, vector<1x16xf32>,
      %swap3A_238 = vector.shape_cast %swap3A_237 : vector<1x16xf32> to vector<16xf32>
      %swap3A_239 = vector.shape_cast %mul3A_232 : vector<16xf32> to vector<1x16xf32>
      tpu.vector_store %arg8[%swap3A_235, %swap3A_236], %swap3A_239 {strides = array<i32>} : memref<128x32xf32, #tpu.memory_space<vmem>>, vector<1x16xf32>,
      %add3A_240 = arith.constant 6 : i32
      %add3A_241 = arith.addi %mul3A_58, %add3A_240 : i32
      %get3A_242 = arith.index_cast %add3A_241 : i32 to index
      %get3A_243 = arith.constant 16 : index
      %get3A_244 = tpu.vector_load %arg8[%get3A_242, %get3A_243] {strides = array<i32>} : memref<128x32xf32, #tpu.memory_space<vmem>>, vector<1x16xf32>,
      %get3A_245 = vector.shape_cast %get3A_244 : vector<1x16xf32> to vector<16xf32>
      %mul3A_246 = arith.mulf %get3A_245, %get3A_4 : vector<16xf32>
      %add3A_247 = arith.constant 6 : i32
      %add3A_248 = arith.addi %mul3A_58, %add3A_247 : i32
      %swap3A_249 = arith.index_cast %add3A_248 : i32 to index
      %swap3A_250 = arith.constant 16 : index
      %swap3A_251 = tpu.vector_load %arg8[%swap3A_249, %swap3A_250] {strides = array<i32>} : memref<128x32xf32, #tpu.memory_space<vmem>>, vector<1x16xf32>,
      %swap3A_252 = vector.shape_cast %swap3A_251 : vector<1x16xf32> to vector<16xf32>
      %swap3A_253 = vector.shape_cast %mul3A_246 : vector<16xf32> to vector<1x16xf32>
      tpu.vector_store %arg8[%swap3A_249, %swap3A_250], %swap3A_253 {strides = array<i32>} : memref<128x32xf32, #tpu.memory_space<vmem>>, vector<1x16xf32>,
      %add3A_254 = arith.constant 7 : i32
      %add3A_255 = arith.addi %mul3A_58, %add3A_254 : i32
      %get3A_256 = arith.index_cast %add3A_255 : i32 to index
      %get3A_257 = arith.constant 0 : index
      %get3A_258 = tpu.vector_load %arg8[%get3A_256, %get3A_257] {strides = array<i32>} : memref<128x32xf32, #tpu.memory_space<vmem>>, vector<1x16xf32>,
      %get3A_259 = vector.shape_cast %get3A_258 : vector<1x16xf32> to vector<16xf32>
      %mul3A_260 = arith.mulf %get3A_259, %get3A_4 : vector<16xf32>
      %add3A_261 = arith.constant 7 : i32
      %add3A_262 = arith.addi %mul3A_58, %add3A_261 : i32
      %swap3A_263 = arith.index_cast %add3A_262 : i32 to index
      %swap3A_264 = arith.constant 0 : index
      %swap3A_265 = tpu.vector_load %arg8[%swap3A_263, %swap3A_264] {strides = array<i32>} : memref<128x32xf32, #tpu.memory_space<vmem>>, vector<1x16xf32>,
      %swap3A_266 = vector.shape_cast %swap3A_265 : vector<1x16xf32> to vector<16xf32>
      %swap3A_267 = vector.shape_cast %mul3A_260 : vector<16xf32> to vector<1x16xf32>
      tpu.vector_store %arg8[%swap3A_263, %swap3A_264], %swap3A_267 {strides = array<i32>} : memref<128x32xf32, #tpu.memory_space<vmem>>, vector<1x16xf32>,
      %add3A_268 = arith.constant 7 : i32
      %add3A_269 = arith.addi %mul3A_58, %add3A_268 : i32
      %get3A_270 = arith.index_cast %add3A_269 : i32 to index
      %get3A_271 = arith.constant 16 : index
      %get3A_272 = tpu.vector_load %arg8[%get3A_270, %get3A_271] {strides = array<i32>} : memref<128x32xf32, #tpu.memory_space<vmem>>, vector<1x16xf32>,
      %get3A_273 = vector.shape_cast %get3A_272 : vector<1x16xf32> to vector<16xf32>
      %mul3A_274 = arith.mulf %get3A_273, %get3A_4 : vector<16xf32>
      %add3A_275 = arith.constant 7 : i32
      %add3A_276 = arith.addi %mul3A_58, %add3A_275 : i32
      %swap3A_277 = arith.index_cast %add3A_276 : i32 to index
      %swap3A_278 = arith.constant 16 : index
      %swap3A_279 = tpu.vector_load %arg8[%swap3A_277, %swap3A_278] {strides = array<i32>} : memref<128x32xf32, #tpu.memory_space<vmem>>, vector<1x16xf32>,
      %swap3A_280 = vector.shape_cast %swap3A_279 : vector<1x16xf32> to vector<16xf32>
      %swap3A_281 = vector.shape_cast %mul3A_274 : vector<16xf32> to vector<1x16xf32>
      tpu.vector_store %arg8[%swap3A_277, %swap3A_278], %swap3A_281 {strides = array<i32>} : memref<128x32xf32, #tpu.memory_space<vmem>>, vector<1x16xf32>,
    }
    %scan3A_51 = arith.constant 16 : i32
    %add3A_52 = arith.constant 49 : i32
    %add3A_53 = arith.addi %mul3A_2, %add3A_52 : i32
    %mul3A_54 = arith.constant 128 : i32
    %mul3A_55 = arith.muli %add3A_53, %mul3A_54 : i32
    "tpu.region"() ({
      %run_scoped3A = tpu.sem_alloc : memref<!tpu.dma_semaphore, #tpu.memory_space<semaphore_mem>>
      %dma_start3A_56 = arith.constant 0 : i32
      %dma_start3A_57 = tpu.memref_slice %arg5[%mul3A_55, %dma_start3A_56] : memref<204800x32xf32, #tpu.memory_space<hbm>> -> memref<128x32xf32, #tpu.memory_space<hbm>>
      %dma_start3A_58 = arith.constant 0 : i32
      %dma_start3A_59 = tpu.memref_slice %arg5[%mul3A_55, %dma_start3A_58] : memref<204800x32xf32, #tpu.memory_space<hbm>> -> memref<128x32xf32, #tpu.memory_space<hbm>>
      tpu.enqueue_dma source(%arg8 : memref<128x32xf32, #tpu.memory_space<vmem>>) target(%dma_start3A_59 : memref<128x32xf32, #tpu.memory_space<hbm>>) target_semaphore(%run_scoped3A : memref<!tpu.dma_semaphore, #tpu.memory_space<semaphore_mem>>)
      %dma_wait3A_60 = arith.constant 0 : i32
      %dma_wait3A_61 = tpu.memref_slice %arg5[%mul3A_55, %dma_wait3A_60] : memref<204800x32xf32, #tpu.memory_space<hbm>> -> memref<128x32xf32, #tpu.memory_space<hbm>>
      %dma_wait3A_62 = arith.constant 0 : i32
      %dma_wait3A_63 = tpu.memref_slice %arg5[%mul3A_55, %dma_wait3A_62] : memref<204800x32xf32, #tpu.memory_space<hbm>> -> memref<128x32xf32, #tpu.memory_space<hbm>>
      tpu.wait_dma2 semaphore(%run_scoped3A : memref<!tpu.dma_semaphore, #tpu.memory_space<semaphore_mem>>) src(%arg8 : memref<128x32xf32, #tpu.memory_space<vmem>>) dst(%dma_wait3A_63 : memref<128x32xf32, #tpu.memory_space<hbm>>)
      tpu.yield
    }) : () -> ()
    return
  }
}

module attributes {stable_mosaic.version = 14 : i64} {
  func.func @body(%arg0: i32, %arg1: memref<20000x32xf32, #tpu.memory_space<vmem>>, %arg2: memref<1x1x20000xf32, #tpu.memory_space<vmem>>, %arg3: memref<1x1xf32, #tpu.memory_space<smem>>, %arg4: memref<32x32xf32, #tpu.memory_space<vmem>>, %arg5: memref<1x32xf32, #tpu.memory_space<vmem>>) attributes {dimension_semantics = [#tpu.dimension_semantics<arbitrary>], iteration_bounds = array<i64: 50>, scalar_prefetch = 0 : i64, scratch_operands = 2 : i64, tpu.core_type = #tpu.core_type<tc>, window_params = [{transform_indices = @transform_0, window_bounds = array<i64: 20000, 32>}, {transform_indices = @transform_1, window_bounds = array<i64: 1, 1, 20000>}, {transform_indices = @transform_2, window_bounds = array<i64: 1, 1>}]} {
    %eq3A = arith.constant 0 : i32
    %eq3A_0 = arith.cmpi eq, %arg0, %eq3A : i32
    %convert_element_type3A = arith.extui %eq3A_0 : i1 to i32
    %cond3A = arith.constant 0 : i32
    %cond3A_1 = arith.cmpi ne, %convert_element_type3A, %cond3A : i32
    scf.if %cond3A_1 {
      %broadcast_in_dim3A = arith.constant 0.000000e+00 : f32
      %broadcast_in_dim3A_29 = vector.broadcast %broadcast_in_dim3A : f32 to vector<32x32xf32>
      %swap3A_30 = arith.constant 0 : index
      %swap3A_31 = arith.constant 0 : index
      %swap3A_32 = vector.load %arg4[%swap3A_30, %swap3A_31] : memref<32x32xf32, #tpu.memory_space<vmem>>, vector<32x32xf32>
      tpu.vector_store %arg4[%swap3A_30, %swap3A_31], %broadcast_in_dim3A_29 {strides = array<i32>} : memref<32x32xf32, #tpu.memory_space<vmem>>, vector<32x32xf32>,
      %broadcast_in_dim3A_33 = arith.constant 0.000000e+00 : f32
      %broadcast_in_dim3A_34 = vector.broadcast %broadcast_in_dim3A_33 : f32 to vector<1x32xf32>
      %swap3A_35 = arith.constant 0 : index
      %swap3A_36 = arith.constant 0 : index
      %swap3A_37 = vector.load %arg5[%swap3A_35, %swap3A_36] : memref<1x32xf32, #tpu.memory_space<vmem>>, vector<1x32xf32>
      tpu.vector_store %arg5[%swap3A_35, %swap3A_36], %broadcast_in_dim3A_34 {strides = array<i32>} : memref<1x32xf32, #tpu.memory_space<vmem>>, vector<1x32xf32>,
    } else {
    }
    %get3A = arith.constant 0 : index
    %get3A_2 = arith.constant 0 : index
    %get3A_3 = vector.load %arg1[%get3A, %get3A_2] : memref<20000x32xf32, #tpu.memory_space<vmem>>, vector<20000x32xf32>
    %get3A_4 = arith.constant 0 : index
    %get3A_5 = arith.constant 0 : index
    %get3A_6 = vector.load %arg4[%get3A_4, %get3A_5] : memref<32x32xf32, #tpu.memory_space<vmem>>, vector<32x32xf32>
    %dot_general3A = arith.constant dense<0.000000e+00> : vector<32x32xf32>
    %dot_general3A_7 = tpu.matmul %get3A_3, %get3A_3, %dot_general3A {dimension_numbers = #tpu.dot_dimension_numbers<[0], [0], [1], [1], [0, 1, 1, 1], [], []>, transpose_lhs_hint = false} : vector<20000x32xf32>, vector<20000x32xf32>, vector<32x32xf32> -> vector<32x32xf32>
    %add3A = arith.addf %get3A_6, %dot_general3A_7 : vector<32x32xf32>
    %swap3A = arith.constant 0 : index
    %swap3A_8 = arith.constant 0 : index
    %swap3A_9 = vector.load %arg4[%swap3A, %swap3A_8] : memref<32x32xf32, #tpu.memory_space<vmem>>, vector<32x32xf32>
    tpu.vector_store %arg4[%swap3A, %swap3A_8], %add3A {strides = array<i32>} : memref<32x32xf32, #tpu.memory_space<vmem>>, vector<32x32xf32>,
    %get3A_10 = arith.constant 0 : index
    %get3A_11 = arith.constant 0 : index
    %get3A_12 = vector.load %arg5[%get3A_10, %get3A_11] : memref<1x32xf32, #tpu.memory_space<vmem>>, vector<1x32xf32>
    %get3A_13 = arith.constant 0 : index
    %get3A_14 = arith.constant 0 : index
    %get3A_15 = arith.constant 0 : index
    %get3A_16 = vector.load %arg2[%get3A_13, %get3A_14, %get3A_15] : memref<1x1x20000xf32, #tpu.memory_space<vmem>>, vector<1x1x20000xf32>
    %get3A_17 = vector.shape_cast %get3A_16 : vector<1x1x20000xf32> to vector<1x20000xf32>
    %dot_general3A_18 = arith.constant dense<0.000000e+00> : vector<1x32xf32>
    %dot_general3A_19 = tpu.matmul %get3A_17, %get3A_3, %dot_general3A_18 {dimension_numbers = #tpu.dot_dimension_numbers<[1], [0], [0], [1], [0, 0, 1, 1], [], []>, transpose_lhs_hint = false} : vector<1x20000xf32>, vector<20000x32xf32>, vector<1x32xf32> -> vector<1x32xf32>
    %add3A_20 = arith.addf %get3A_12, %dot_general3A_19 : vector<1x32xf32>
    %swap3A_21 = arith.constant 0 : index
    %swap3A_22 = arith.constant 0 : index
    %swap3A_23 = vector.load %arg5[%swap3A_21, %swap3A_22] : memref<1x32xf32, #tpu.memory_space<vmem>>, vector<1x32xf32>
    tpu.vector_store %arg5[%swap3A_21, %swap3A_22], %add3A_20 {strides = array<i32>} : memref<1x32xf32, #tpu.memory_space<vmem>>, vector<1x32xf32>,
    %eq3A_24 = arith.constant 49 : i32
    %eq3A_25 = arith.cmpi eq, %arg0, %eq3A_24 : i32
    %convert_element_type3A_26 = arith.extui %eq3A_25 : i1 to i32
    %cond3A_27 = arith.constant 0 : i32
    %cond3A_28 = arith.cmpi ne, %convert_element_type3A_26, %cond3A_27 : i32
    scf.if %cond3A_28 {
      %get3A_29 = arith.constant 0 : index
      %get3A_30 = arith.constant 0 : index
      %get3A_31 = vector.load %arg4[%get3A_29, %get3A_30] : memref<32x32xf32, #tpu.memory_space<vmem>>, vector<32x32xf32>
      %get3A_32 = arith.constant 0 : index
      %get3A_33 = arith.constant 0 : index
      %get3A_34 = vector.load %arg5[%get3A_32, %get3A_33] : memref<1x32xf32, #tpu.memory_space<vmem>>, vector<1x32xf32>
      %dot_general3A_35 = arith.constant dense<0.000000e+00> : vector<1x32xf32>
      %dot_general3A_36 = tpu.matmul %get3A_34, %get3A_31, %dot_general3A_35 {dimension_numbers = #tpu.dot_dimension_numbers<[1], [0], [0], [1], [0, 0, 1, 1], [], []>, transpose_lhs_hint = false} : vector<1x32xf32>, vector<32x32xf32>, vector<1x32xf32> -> vector<1x32xf32>
      %mul3A = arith.mulf %dot_general3A_36, %get3A_34 : vector<1x32xf32>
      %reduce_sum3A = vector.shape_cast %mul3A : vector<1x32xf32> to vector<1x1x32xf32>
      %reduce_sum3A_37 = arith.constant dense<0.000000e+00> : vector<1xf32>
      %reduce_sum3A_38 = vector.multi_reduction <add>, %reduce_sum3A, %reduce_sum3A_37 [1, 2] : vector<1x1x32xf32> to vector<1xf32>
      %reduce_sum3A_39 = vector.shape_cast %reduce_sum3A_38 : vector<1xf32> to vector<1x1x1xf32>
      %reduce_sum3A_40 = vector.extract %reduce_sum3A_39[0, 0, 0] : f32 from vector<1x1x1xf32>
      %mul3A_41 = arith.mulf %get3A_34, %get3A_34 : vector<1x32xf32>
      %reduce_sum3A_42 = vector.shape_cast %mul3A_41 : vector<1x32xf32> to vector<1x1x32xf32>
      %reduce_sum3A_43 = arith.constant dense<0.000000e+00> : vector<1xf32>
      %reduce_sum3A_44 = vector.multi_reduction <add>, %reduce_sum3A_42, %reduce_sum3A_43 [1, 2] : vector<1x1x32xf32> to vector<1xf32>
      %reduce_sum3A_45 = vector.shape_cast %reduce_sum3A_44 : vector<1xf32> to vector<1x1x1xf32>
      %reduce_sum3A_46 = vector.extract %reduce_sum3A_45[0, 0, 0] : f32 from vector<1x1x1xf32>
      %sqrt3A = math.sqrt %reduce_sum3A_40 : f32
      %sqrt3A_47 = math.sqrt %reduce_sum3A_46 : f32
      %add3A_48 = arith.constant 9.99999996E-13 : f32
      %add3A_49 = arith.addf %sqrt3A_47, %add3A_48 : f32
      %div3A = arith.divf %sqrt3A, %add3A_49 : f32
      %div3A_50 = arith.constant 1.000000e+00 : f32
      %div3A_51 = arith.divf %div3A_50, %div3A : f32
      %swap3A_52 = arith.constant 0 : index
      %swap3A_53 = arith.constant 0 : index
      %swap3A_54 = memref.load %arg3[%swap3A_52, %swap3A_53] : memref<1x1xf32, #tpu.memory_space<smem>>
      memref.store %div3A_51, %arg3[%swap3A_52, %swap3A_53] : memref<1x1xf32, #tpu.memory_space<smem>>
    } else {
    }
    return
  }
  func.func @transform_0(%arg0: i32) -> (i32, i32) {
    %c0_i32 = arith.constant 0 : i32
    %c0_i32_0 = arith.constant 0 : i32
    return %arg0, %c0_i32 : i32, i32
  }
  func.func @transform_1(%arg0: i32) -> (i32, i32, i32) {
    %c0_i32 = arith.constant 0 : i32
    %c0_i32_0 = arith.constant 0 : i32
    %c0_i32_1 = arith.constant 0 : i32
    return %arg0, %c0_i32, %c0_i32_0 : i32, i32, i32
  }
  func.func @transform_2(%arg0: i32) -> (i32, i32) {
    %c0_i32 = arith.constant 0 : i32
    %c0_i32_0 = arith.constant 0 : i32
    %c0_i32_1 = arith.constant 0 : i32
    return %c0_i32, %c0_i32_0 : i32, i32
  }
}

</mosaic_0001>

<sc_bundles>
// kernel: kernel.4.cloned.1.call-start
scs
__scs_entry_jumppad:
0x0: {  	(pc) =	sbr.rel $0x88, $3  }
0x1: {  	(tag) =	ssettag $0x0;
	lr =	simm.s32 $0x1  }
0x2: {  	[smem:$0x3F9E] =	sst lr;
	_ =	strace $0xD0000000  }
0x3: {  	_ = 	snop  }
0x4: {  	_ = 	snop  }
0x5: {  	_ = 	snop  }
0x6: {  	_ = 	snop  }
0x7: {  	_ = 	snop  }
__scs_overlays_trampoline_lowered:
0x8: {  	[smem:$0x3FAD] =	sst s0  }
0x9: {  	[smem:$0x3FAE] =	sst s1  }
0xa: {  	[smem:$0x3FAF] =	sst s2  }
0xb: {  	[smem:$0x3FB0] =	sst s3  }
0xc: {  	[smem:$0x3FB1] =	sst s4  }
0xd: {  	[smem:$0x3FB2] =	sst s5  }
0xe: {  	[smem:$0x3FB3] =	sst s6  }
0xf: {  	[smem:$0x3FB4] =	sst s7  }
0x10: {  	[smem:$0x3FB5] =	sst s8  }
0x11: {  	[smem:$0x3FB6] =	sst s9;
	s0 =	simm.s32 @!p0 $0x0  }
0x12: {  	s1 =	sld [smem:$0x3F9C];
	s0 =	simm.s32 @p0 $0x1  }
0x13: {  	[smem:$0x3FB7] =	sst s0;
	s0 =	simm.s32 @!p1 $0x0  }
0x14: {  	s2 =	sld [smem:$0x3F9B];
	s0 =	simm.s32 @p1 $0x1  }
0x15: {  	[smem:$0x3FB8] =	sst s0;
	s0 =	simm.s32 @!p2 $0x0  }
0x16: {  	s3 =	sld [smem:$0x3FDB];
	s0 =	simm.s32 @p2 $0x1  }
0x17: {  	s4 =	simm.s32 $0x1BF5;
	[smem:$0x3FBA] =	sst s0  }
0x18: {  	s0 =	sld [smem:$0x3F9D];
	_ =	swait.ge [sflag:s4], $0x0  }
0x19: {  	s7 =	sld [smem:$0x3F9E]  }
0x1a: {  	s8 =	sadd.s32 $0xFFFFE003, lr  }
0x1b: {  	s9 =	sadd.s32 $0xFFFFFEF7, lr;
	s5 =	simm.s32 $0xFFFFFFFF;
	p2 =	slt.u32 s8, $0xFFFFF086  }
0x1c: {  	p1 =	slt.u32 s9, $0xF7A;
	s5 =	simm.s32 @!p2 $0x0  }
0x1d: {  	s5 =	simm.s32 @p1 $0x1;
	p0 =	seq.s32 s7, s2  }
0x1e: {  	s7 =	smul.u32 @!p0 $0xF7A, s2;
	p2 =	seq.s32 @!p0 s5, $0x0  }
0x1f: {  	s9 =	smul.u32 $0xF7A, s1;
	s8 =	simm.s32 @!p0 $0x1BF5;
	p2 =	por !p2, p0  }
0x20: {  	[sflag:s8] =	ssyncset.s32 @!p0 $0xFFFFF086;
	s6 =	sadd.s32 @!p0 s3, s7;
	s7 =	simm.s32 @!p0 $0x108  }
0x21: {  	s3 =	sadd.s32 s3, s9;
	s6 =	sadd.s32 @!p0 $0x88, s6;
	s7 =	simm.s32 @p2 $0x1082  }
0x22: {  	[simem:s7], [sflag:s8] =	dma.local @!p0 [hbm:s6], $0xF7A  }
0x23: {  	s9 =	sor.u32 $0xD0000000, s2;
	s6 =	simm.s32 $0x108;
	_ =	swait.ge @!p0 [sflag:s8], $0x0  }
0x24: {  	s3 =	sadd.s32 $0x88, s3;
	s6 =	simm.s32 @!p1 $0x1082;
	[sflag:s4] =	ssyncset.s32 $0xFFFFF086  }
0x25: {  	[simem:s6], [sflag:s4] =	dma.local [hbm:s3], $0xF7A  }
0x26: {  	[smem:$0x3F9E] =	sst s1;
	(tag) =	ssettag s2;
	_ =	strace s9  }
0x27: {  	s1 =	sld [smem:$0x3FAE]  }
0x28: {  	s2 =	sld [smem:$0x3FAF]  }
0x29: {  	s4 =	sld [smem:$0x3FB1]  }
0x2a: {  	p0 =	seq.s32 s5, $0x0;
	s5 =	sld [smem:$0x3FB2]  }
0x2b: {  	s6 =	sld [smem:$0x3FB3]  }
0x2c: {  	s7 =	sld [smem:$0x3FB4]  }
0x2d: {  	s3 =	simm.s32 $0x108;
	s8 =	sld [smem:$0x3FB5]  }
0x2e: {  	s3 =	simm.s32 @!p0 $0x1082;
	s9 =	sld [smem:$0x3FB6]  }
0x2f: {  	lr =	sadd.s32 s0, s3;
	s0 =	sld [smem:$0x3FAD]  }
0x30: {  	s3 =	sld [smem:$0x3FB0]  }
0x31: {  	[smem:$0x3FB9] =	sst s10  }
0x32: {  	s10 =	sld [smem:$0x3FB7];
	_ =	sdelay $0x3  }
0x33: {  	p0 =	seq.s32 s10, $0x1;
	s10 =	sld [smem:$0x3FB9];
	_ =	sdelay $0x3  }
0x34: {  	[smem:$0x3FB9] =	sst s10  }
0x35: {  	s10 =	sld [smem:$0x3FB8];
	_ =	sdelay $0x3  }
0x36: {  	p1 =	seq.s32 s10, $0x1;
	s10 =	sld [smem:$0x3FB9];
	_ =	sdelay $0x3  }
0x37: {  	[smem:$0x3FB9] =	sst s10  }
0x38: {  	s10 =	sld [smem:$0x3FBA]  }
0x39: {  	_ = 	snop;
	(pc) =	sbr.ind lr, $3  }
0x3a: {  	_ = 	snop  }
0x3b: {  	_ = 	snop  }
0x3c: {  	p2 =	seq.s32 s10, $0x1;
	s10 =	sld [smem:$0x3FB9]  }
0x3d: {  	_ =	shalt  }
0x3e: {  	_ =	shalt  }
0x3f: {  	_ =	shalt  }
0x40: {  	_ =	shalt  }
0x41: {  	_ =	shalt  }
0x42: {  	_ =	shalt  }
0x43: {  	_ =	shalt  }
0x44: {  	_ =	shalt  }
0x45: {  	_ =	shalt  }
0x46: {  	_ =	shalt  }
0x47: {  	_ =	shalt  }
0x48: {  	_ =	shalt  }
0x49: {  	_ =	shalt  }
0x4a: {  	_ =	shalt  }
0x4b: {  	_ =	shalt  }
0x4c: {  	_ =	shalt  }
0x4d: {  	_ =	shalt  }
0x4e: {  	_ =	shalt  }
0x4f: {  	_ =	shalt  }
0x50: {  	_ =	shalt  }
0x51: {  	_ =	shalt  }
0x52: {  	_ =	shalt  }
0x53: {  	_ =	shalt  }
0x54: {  	_ =	shalt  }
0x55: {  	_ =	shalt  }
0x56: {  	_ =	shalt  }
0x57: {  	_ =	shalt  }
0x58: {  	_ =	shalt  }
0x59: {  	_ =	shalt  }
0x5a: {  	_ =	shalt  }
0x5b: {  	_ =	shalt  }
0x5c: {  	_ =	shalt  }
0x5d: {  	_ =	shalt  }
0x5e: {  	_ =	shalt  }
0x5f: {  	_ =	shalt  }
0x60: {  	_ =	shalt  }
0x61: {  	_ =	shalt  }
0x62: {  	_ =	shalt  }
0x63: {  	_ =	shalt  }
0x64: {  	_ =	shalt  }
0x65: {  	_ =	shalt  }
0x66: {  	_ =	shalt  }
0x67: {  	_ =	shalt  }
0x68: {  	_ =	shalt  }
0x69: {  	_ =	shalt  }
0x6a: {  	_ =	shalt  }
0x6b: {  	_ =	shalt  }
0x6c: {  	_ =	shalt  }
0x6d: {  	_ =	shalt  }
0x6e: {  	_ =	shalt  }
0x6f: {  	_ =	shalt  }
0x70: {  	_ =	shalt  }
0x71: {  	_ =	shalt  }
0x72: {  	_ =	shalt  }
0x73: {  	_ =	shalt  }
0x74: {  	_ =	shalt  }
0x75: {  	_ =	shalt  }
0x76: {  	_ =	shalt  }
0x77: {  	_ =	shalt  }
0x78: {  	_ =	shalt  }
0x79: {  	_ =	shalt  }
0x7a: {  	_ =	shalt  }
0x7b: {  	_ =	shalt  }
0x7c: {  	_ =	shalt  }
0x7d: {  	_ =	shalt  }
0x7e: {  	_ =	shalt  }
0x7f: {  	_ =	shalt  }
0x80: {  	_ =	shalt  }
0x81: {  	_ =	shalt  }
0x82: {  	_ =	shalt  }
0x83: {  	_ =	shalt  }
0x84: {  	_ =	shalt  }
0x85: {  	_ =	shalt  }
0x86: {  	_ =	shalt  }
0x87: {  	_ =	shalt  }
.Lfunc_end0:
.L_simem_size_0:
called_computation_lowered:
.L_overlay_start_0:
0x88: {  	s2 =	sld [smem:$0x3FD9]  }
0x89: {  	s3 =	sld [smem:$0x3FFE];
	_ =	sdelay $0x1  }
0x8a: {  	s1 =	srdreg.scid  }
0x8b: {  	s0 =	sand.u32 $0x1, s1  }
0x8c: {  	s17 =	sshll.u32 s0, $0xA;
	s2 =	sadd.s32 s3, s2  }
0x8d: {  	s2 =	sadd.s32 s2, s17  }
0x8e: {  	[smem:$0x3FC5] =	sst s2  }
0x8f: {  	_ = 	snop  }
0x90: {  	s2 =	sld [smem:$0x3FD0];
	(tm) =	ssettm $0x1  }
0x91: {  	s18 =	sld [smem:$0x3FFB];
	_ =	sdelay $0x3  }
0x92: {  	_ =	strace s18  }
0x93: {  	s3 =	sld [smem:$0x3FFC];
	_ =	sdelay $0x3  }
0x94: {  	_ =	strace s3  }
0x95: {  	s3 =	sld [smem:$0x3FFD];
	_ =	sdelay $0x3  }
0x96: {  	_ =	strace s3  }
0x97: {  	_ =	strace $0x8FFFFFFF  }
0x98: {  	s19 =	sld [smem:$0x3FDB];
	_ =	sdelay $0x1  }
0x99: {  	s4 =	simm.s32 $_scs_section_size  }
0x9a: {  	s5 =	simm.s32 $_size__tile_overlayer_lowered;
	s6 =	simm.s32 $_tile_overlayer_lowered  }
0x9b: {  	s22 =	simm.s32 $0x1BFF;
	s21 =	sshll.u32 s6, $0x1;
	s3 =	sadd.s32 s4, s19  }
0x9c: {  	s7 =	simm.s32 $0x0;
	s20 =	sshll.u32 s5, $0x1;
	s5 =	sadd.s32 s21, s3  }
0x9d: {  	[timem:s7], [sflag:s22] =	dma.local [hbm:s5], s20  }
0x9e: {  	_ =	swait.ge [sflag:s22], s20  }
0x9f: {  	s4 =	ssub.s32 $0x0, s20;
	[sflag:s22] =	ssyncset.done $0x0  }
0xa0: {  	[sflag:s22] =	ssyncadd.s32 s4;
	_ =	sdelay $0x1  }
0xa1: {  	s23 =	simm.s32 $0x1B8B  }
0xa2: {  	_ =	swait.ge [sflag:s23], $0x1  }
0xa3: {  	[sflag:s23] =	ssyncset.done $0x0  }
0xa4: {  	s25 =	simm.s32 $0x1B8E;
	s24 =	sld [smem:$0x3FFE];
	[sflag:s23] =	ssyncadd.s32 $0xFFFFFFFF  }
0xa5: {  	s26 =	simm.s32 $execute0_lowered;
	[smem:$0x3FD2] =	sst s25  }
0xa6: {  	s5 =	sshll.u32 s26, $0x1;
	_ =	strace $0x80000046;
	[dreg:$0x1] =	wrdreg $0xFFFFFFFF  }
0xa7: {  	s28 =	simm.s32 $_size_execute0_lowered;
	s3 =	sadd.s32 s3, s5;
	[dreg:$0x0] =	wrdreg $0x0  }
0xa8: {  	s5 =	sshll.u32 s28, $0x1;
	[dreg:$0x2] =	wrdreg s3  }
0xa9: {  	[dreg:$0x3] =	wrdreg s5  }
0xaa: {  	[dreg:$0x4] =	wrdreg $0xC0  }
0xab: {  	_ =	task [dreg:s7], $0x5FFFF  }
0xac: {  	[dreg:$0x1] =	wrdreg $0xFFFFFFFF  }
0xad: {  	[dreg:$0x0] =	wrdreg $0x60  }
0xae: {  	[dreg:$0x2] =	wrdreg s24  }
0xaf: {  	[dreg:$0x3] =	wrdreg s2  }
0xb0: {  	[dreg:$0x4] =	wrdreg $0x9  }
0xb1: {  	_ =	task.clear_ibuf [dreg:s7], $0x5FFFF;
	_ =	strace $0x90000046  }
0xb2: {  	s29 =	simm.s32 $0x9;
	_ =	strace $0x80000048  }
0xb3: {  	_ =	swait.ge [sflag:s29], $0x1  }
0xb4: {  	[sflag:s29] =	ssyncadd.s32 $0xFFFFFFFF  }
0xb5: {  	_ =	strace $0x90000048  }
0xb6: {  	_ =	sfence  }
0xb7: {  	s30 =	sld [smem:$0x0];
	_ =	sdelay $0x2  }
0xb8: {  	s31 =	sshll.u32 s1, $0xD;
	s1 =	sshrl.u32 s1, $0x2  }
0xb9: {  	s3 =	sand.u32 $0x4000, s31;
	s1 =	sadd.s32 s1, s30  }
0xba: {  	s0 =	sor.u32 s3, s0;
	s1 =	sshll.u32 s1, $0x11  }
0xbb: {  	s0 =	sor.u32 s1, s0  }
0xbc: {  	s0 =	sadd.s32 $0x8F2B, s0  }
0xbd: {  	[sflag:s0] =	ssyncadd.remote.s32 $0x1  }
0xbe: {  	_ =	sfence.sel $0xFFFF  }
0xbf: {  	[dreg:$0x0] =	wrdreg $0xFFFFFFFF;
	(pc) =	sbr.abs _section_cstart, $3  }
0xc0: {  	[dreg:$0x1] =	wrdreg $0xFFFFFFFF  }
0xc1: {  	_ =	task.clear_ibuf [dreg:s7], $0x2FFFF;
	_ =	strace $0x9FFFFFFF  }
0xc2: {  	(tm) =	ssettm $0x7FFFFFFF  }
0xc3: {  	_ =	shalt  }
tec
execute0_lowered:
.L_overlay_start_1:
0x0: {  	(tag) =	ssettag $0x1  }
0x1: {  	s5 =	rddreg [dreg:$0x0]  }
0x2: {  	s2 =	rddreg [dreg:$0x1]  }
0x3: {  	s0 =	rddreg [dreg:$0x2]  }
0x4: {  	s4 =	srdreg.scid;
	s1 =	stileid.u32  }
0x5: {  	s3 =	simm.s32 $0x0;
	s12 =	simm.s32 $0x3;
	s13 =	simm.s32 $0x3900  }
0x6: {  	s14 =	simm.s32 $0x80;
	s15 =	simm.s32 $0x1900;
	s16 =	simm.s32 $0x2900  }
0x7: {  	s17 =	simm.s32 $0x1;
	s6 =	sand.u32 $0x1, s4;
	s30 =	sshll.u32 s1, $0x1  }
0x8: {  	s18 =	simm.s32 $0x2;
	s19 =	simm.s32 $0x0;
	s7 =	sor.u32 s6, s30  }
0x9: {  	[smem:$0x7FF] =	sst s3;
	s10 =	ssub.s32 $0x2, s6;
	s8 =	smul.u32 $0x320, s7  }
0xa: {  	s4 =	sadd.s32 $0xF48A00, s5;
	s9 =	smul.u32 $0x32000, s7;
	s11 =	sshrl.u32 s10, $0x1  }
0xb: {  	_ =	strace $0x80000047;
	s6 =	smul.u32 $0x32, s7;
	s11 =	ssub.s32 s10, s11  }
0xc: {  	s8 =	sadd.s32 s8, s5;
	s5 =	sadd.s32 $0x6600, s5;
	s9 =	sshrl.u32 s9, $0x3  }
0xd: {  	s11 =	smax.u32 s11, $0x1;
	s7 =	sadd.s32 $0x200, s8;
	s31 =	sadd.s32 s2, s9  }
0xe: {  	s8 =	sor.u32 $0x1, s6;
	s9 =	sadd.s32 $0x6000, s31;
	s10 =	sadd.s32 $0x6200, s31  }
.LBB2_1:
0xf: {  	[tilespmem:s3], [sflag:$0x3] =	stream.linear.gather [hbm4b:s7+s3], $0x1900, $0x38;
	[tilespmem:$0x3910] =	vst v63  }
0x10: {  	_ =	swait.ge [sflag:s12], $0x1900  }
0x11: {  	[sflag:s12] =	ssyncset.done $0x0  }
0x12: {  	[sflag:s12] =	ssyncadd.s32 $0xFFFFE700  }
0x13: {  	[tilespmem:s13], [sflag:$0x3] =	stream.linear.gather [hbm4b:s5+s3], $0x10, $0x38;
	[tilespmem:$0x3910] =	vst v63  }
0x14: {  	_ =	swait.ge [sflag:s12], $0x10  }
0x15: {  	[sflag:s12] =	ssyncset.done $0x0  }
0x16: {  	[sflag:s12] =	ssyncadd.s32 $0xFFFFFFF0  }
0x17: {  	v0 =	vld [tilespmem:$0x3900];
	_ =	sdelay $0x1  }
0x18: {  	[tilespmem:s15], [sflag:$0x1] =	stream.indirect.gather [hbm4b:s4+s14], $0x20, s3, s14, $0xb8;
	[tilespmem:$0x3910] =	vst v63  }
0x19: {  	s20 =	simm.s32 $0x0  }
0x1a: {  	[tilespmem:s16], [sflag:$0x2] =	stream.indirect.gather [hbm4b:s4+s14], $0x20, s14, s14, $0xb8;
	[tilespmem:$0x3910] =	vst v63  }
.LBB2_2:
0x1b: {  	_ =	swait.ge [sflag:s17], $0x1000  }
0x1c: {  	[sflag:s17] =	ssyncset.done $0x0  }
0x1d: {  	s22 =	simm.s32 $0x0;
	[sflag:s17] =	ssyncadd.s32 $0xFFFFF000  }
0x1e: {  	v1 =	vld [tilespmem:s22+$0x1900]  }
0x1f: {  	v2 =	vld [tilespmem:s22+$0x1910]  }
0x20: {  	v3 =	vld [tilespmem:s22+$0x1920]  }
0x21: {  	v4 =	vld [tilespmem:s22+$0x1930]  }
0x22: {  	v5 =	vld [tilespmem:s22+$0x1940]  }
0x23: {  	v6 =	vld [tilespmem:s22+$0x1950];
	v1 =	vmul.f32 v1, v0  }
0x24: {  	v7 =	vld [tilespmem:s22+$0x1960];
	v2 =	vmul.f32 v2, v0  }
0x25: {  	v8 =	vld [tilespmem:s22+$0x1970];
	[tilespmem:s22+$0x1900] =	vst v1;
	v1 =	vmul.f32 v3, v0  }
0x26: {  	v9 =	vld [tilespmem:s22+$0x1980];
	[tilespmem:s22+$0x1910] =	vst v2;
	v2 =	vmul.f32 v4, v0  }
0x27: {  	v10 =	vld [tilespmem:s22+$0x1990];
	[tilespmem:s22+$0x1920] =	vst v1;
	v1 =	vmul.f32 v5, v0  }
0x28: {  	v3 =	vmul.f32 v6, v0;
	[tilespmem:s22+$0x1930] =	vst v2;
	v2 =	vld [tilespmem:s22+$0x19A0]  }
0x29: {  	v4 =	vmul.f32 v7, v0;
	[tilespmem:s22+$0x1940] =	vst v1;
	v1 =	vld [tilespmem:s22+$0x19B0]  }
0x2a: {  	[tilespmem:s22+$0x1950] =	vst v3;
	v3 =	vld [tilespmem:s22+$0x19C0];
	v5 =	vmul.f32 v8, v0  }
0x2b: {  	v7 =	vmul.f32 v9, v0;
	[tilespmem:s22+$0x1960] =	vst v4;
	v4 =	vld [tilespmem:s22+$0x19D0]  }
0x2c: {  	s21 =	simm.s32 $0x400;
	v6 =	vmul.f32 v10, v0;
	[tilespmem:s22+$0x1970] =	vst v5;
	v5 =	vld [tilespmem:s22+$0x19E0]  }
.LBB2_3:
0x2d: {  	s23 =	sshra.s32 s21, $0x2;
	p0 =	sne.s32 s21, $0x3C00;
	[tilespmem:s22+$0x1980] =	vst v7;
	v2 =	vmul.f32 v2, v0;
	v7 =	vld [tilespmem:s22+$0x19F0]  }
0x2e: {  	v8 =	vld [tilespmem:s23+$0x1900];
	[tilespmem:s22+$0x1990] =	vst v6;
	v1 =	vmul.f32 v1, v0  }
0x2f: {  	v6 =	vld [tilespmem:s23+$0x1910];
	[tilespmem:s22+$0x19A0] =	vst v2;
	v2 =	vmul.f32 v3, v0  }
0x30: {  	v3 =	vld [tilespmem:s23+$0x1920];
	[tilespmem:s22+$0x19B0] =	vst v1;
	v1 =	vmul.f32 v4, v0  }
0x31: {  	v4 =	vld [tilespmem:s23+$0x1930];
	[tilespmem:s22+$0x19C0] =	vst v2;
	v2 =	vmul.f32 v5, v0  }
0x32: {  	v5 =	vld [tilespmem:s23+$0x1940];
	[tilespmem:s22+$0x19D0] =	vst v1;
	v1 =	vmul.f32 v7, v0  }
0x33: {  	v7 =	vmul.f32 v8, v0;
	v8 =	vld [tilespmem:s23+$0x1950];
	[tilespmem:s22+$0x19E0] =	vst v2  }
0x34: {  	v2 =	vmul.f32 v6, v0;
	v6 =	vld [tilespmem:s23+$0x1960];
	[tilespmem:s22+$0x19F0] =	vst v1;
	s22 =	smov.u32 s23  }
0x35: {  	[tilespmem:s22+$0x1900] =	vst v7;
	v1 =	vmul.f32 v3, v0;
	v3 =	vld [tilespmem:s22+$0x1970]  }
0x36: {  	[tilespmem:s22+$0x1910] =	vst v2;
	v2 =	vmul.f32 v4, v0;
	v4 =	vld [tilespmem:s22+$0x1980]  }
0x37: {  	[tilespmem:s22+$0x1920] =	vst v1;
	v1 =	vmul.f32 v5, v0;
	v5 =	vld [tilespmem:s22+$0x1990]  }
.Ltmp0:
0x38: {  	[tilespmem:s22+$0x1930] =	vst v2;
	v7 =	vmul.f32 v8, v0;
	v2 =	vld [tilespmem:s22+$0x19A0];
	(pc) =	sbr.rel @p0 .LBB2_3-.Ltmp0, $4  }
0x39: {  	[tilespmem:s22+$0x1940] =	vst v1;
	v6 =	vmul.f32 v6, v0;
	v1 =	vld [tilespmem:s22+$0x19B0]  }
0x3a: {  	[tilespmem:s22+$0x1950] =	vst v7;
	v8 =	vmul.f32 v3, v0;
	v3 =	vld [tilespmem:s22+$0x19C0]  }
0x3b: {  	[tilespmem:s22+$0x1960] =	vst v6;
	v7 =	vmul.f32 v4, v0;
	v4 =	vld [tilespmem:s22+$0x19D0]  }
0x3c: {  	s21 =	sadd.s32 $0x400, s21;
	[tilespmem:s22+$0x1970] =	vst v8;
	v6 =	vmul.f32 v5, v0;
	v5 =	vld [tilespmem:s22+$0x19E0]  }
0x3d: {  	[tilespmem:s22+$0x1980] =	vst v7;
	v2 =	vmul.f32 v2, v0;
	v7 =	vld [tilespmem:s22+$0x19F0]  }
0x3e: {  	[tilespmem:s22+$0x1990] =	vst v6;
	v1 =	vmul.f32 v1, v0  }
0x3f: {  	[tilespmem:s22+$0x19A0] =	vst v2;
	v2 =	vmul.f32 v3, v0  }
0x40: {  	[tilespmem:s22+$0x19B0] =	vst v1;
	v1 =	vmul.f32 v4, v0  }
0x41: {  	s21 =	sshll.u32 s20, $0x1;
	[tilespmem:s22+$0x19C0] =	vst v2;
	v2 =	vmul.f32 v5, v0  }
0x42: {  	s23 =	sadd.s32 s6, s21;
	[tilespmem:s22+$0x19D0] =	vst v1;
	v1 =	vmul.f32 v7, v0  }
0x43: {  	s23 =	sshll.u32 s23, $0x9;
	[tilespmem:s22+$0x19E0] =	vst v2  }
0x44: {  	s29 =	simm.s32 $0x0;
	s28 =	sadd.s32 s2, s23;
	[tilespmem:s22+$0x19F0] =	vst v1  }
0x45: {  	[hbm4b:s28+s29] =	stream.linear.scatter [tilespmem:s15], [sflag:$0x3], $0x1000, $0x38;
	[tilespmem:$0x3910] =	vst v63  }
0x46: {  	s30 =	sshll.u32 s20, $0x8;
	_ =	swait.ge [sflag:s12], $0x1000  }
0x47: {  	s22 =	sand.u32 $0x3FFFFF00, s30;
	[sflag:s12] =	ssyncset.done $0x0  }
0x48: {  	s31 =	sadd.s32 $0x100, s22;
	[sflag:s12] =	ssyncadd.s32 $0xFFFFF000  }
0x49: {  	[tilespmem:s15], [sflag:$0x1] =	stream.indirect.gather [hbm4b:s4+s14], $0x20, s31, s14, $0xb8;
	[tilespmem:$0x3910] =	vst v63  }
0x4a: {  	_ =	swait.ge [sflag:s18], $0x1000  }
0x4b: {  	[sflag:s18] =	ssyncset.done $0x0  }
0x4c: {  	s23 =	simm.s32 $0x0;
	[sflag:s18] =	ssyncadd.s32 $0xFFFFF000  }
0x4d: {  	v1 =	vld [tilespmem:s23+$0x2900]  }
0x4e: {  	v2 =	vld [tilespmem:s23+$0x2910]  }
0x4f: {  	v3 =	vld [tilespmem:s23+$0x2920]  }
0x50: {  	v4 =	vld [tilespmem:s23+$0x2930]  }
0x51: {  	v5 =	vld [tilespmem:s23+$0x2940]  }
0x52: {  	v6 =	vld [tilespmem:s23+$0x2950];
	v1 =	vmul.f32 v1, v0  }
0x53: {  	v7 =	vld [tilespmem:s23+$0x2960];
	v2 =	vmul.f32 v2, v0  }
0x54: {  	v8 =	vld [tilespmem:s23+$0x2970];
	[tilespmem:s23+$0x2900] =	vst v1;
	v1 =	vmul.f32 v3, v0  }
0x55: {  	v9 =	vld [tilespmem:s23+$0x2980];
	[tilespmem:s23+$0x2910] =	vst v2;
	v2 =	vmul.f32 v4, v0  }
0x56: {  	v10 =	vld [tilespmem:s23+$0x2990];
	[tilespmem:s23+$0x2920] =	vst v1;
	v1 =	vmul.f32 v5, v0  }
0x57: {  	v3 =	vmul.f32 v6, v0;
	[tilespmem:s23+$0x2930] =	vst v2;
	v2 =	vld [tilespmem:s23+$0x29A0]  }
0x58: {  	v4 =	vmul.f32 v7, v0;
	[tilespmem:s23+$0x2940] =	vst v1;
	v1 =	vld [tilespmem:s23+$0x29B0]  }
0x59: {  	[tilespmem:s23+$0x2950] =	vst v3;
	v3 =	vld [tilespmem:s23+$0x29C0];
	v5 =	vmul.f32 v8, v0  }
0x5a: {  	v7 =	vmul.f32 v9, v0;
	[tilespmem:s23+$0x2960] =	vst v4;
	v4 =	vld [tilespmem:s23+$0x29D0]  }
0x5b: {  	s24 =	simm.s32 $0x400;
	v6 =	vmul.f32 v10, v0;
	[tilespmem:s23+$0x2970] =	vst v5;
	v5 =	vld [tilespmem:s23+$0x29E0]  }
.LBB2_5:
0x5c: {  	s25 =	sshra.s32 s24, $0x2;
	p0 =	sne.s32 s24, $0x3C00;
	[tilespmem:s23+$0x2980] =	vst v7;
	v2 =	vmul.f32 v2, v0;
	v7 =	vld [tilespmem:s23+$0x29F0]  }
0x5d: {  	v8 =	vld [tilespmem:s25+$0x2900];
	[tilespmem:s23+$0x2990] =	vst v6;
	v1 =	vmul.f32 v1, v0  }
0x5e: {  	v6 =	vld [tilespmem:s25+$0x2910];
	[tilespmem:s23+$0x29A0] =	vst v2;
	v2 =	vmul.f32 v3, v0  }
0x5f: {  	v3 =	vld [tilespmem:s25+$0x2920];
	[tilespmem:s23+$0x29B0] =	vst v1;
	v1 =	vmul.f32 v4, v0  }
0x60: {  	v4 =	vld [tilespmem:s25+$0x2930];
	[tilespmem:s23+$0x29C0] =	vst v2;
	v2 =	vmul.f32 v5, v0  }
0x61: {  	v5 =	vld [tilespmem:s25+$0x2940];
	[tilespmem:s23+$0x29D0] =	vst v1;
	v1 =	vmul.f32 v7, v0  }
0x62: {  	v7 =	vmul.f32 v8, v0;
	v8 =	vld [tilespmem:s25+$0x2950];
	[tilespmem:s23+$0x29E0] =	vst v2  }
0x63: {  	v2 =	vmul.f32 v6, v0;
	v6 =	vld [tilespmem:s25+$0x2960];
	[tilespmem:s23+$0x29F0] =	vst v1;
	s23 =	smov.u32 s25  }
0x64: {  	[tilespmem:s23+$0x2900] =	vst v7;
	v1 =	vmul.f32 v3, v0;
	v3 =	vld [tilespmem:s23+$0x2970]  }
0x65: {  	[tilespmem:s23+$0x2910] =	vst v2;
	v2 =	vmul.f32 v4, v0;
	v4 =	vld [tilespmem:s23+$0x2980]  }
0x66: {  	[tilespmem:s23+$0x2920] =	vst v1;
	v1 =	vmul.f32 v5, v0;
	v5 =	vld [tilespmem:s23+$0x2990]  }
.Ltmp1:
0x67: {  	[tilespmem:s23+$0x2930] =	vst v2;
	v7 =	vmul.f32 v8, v0;
	v2 =	vld [tilespmem:s23+$0x29A0];
	(pc) =	sbr.rel @p0 .LBB2_5-.Ltmp1, $4  }
0x68: {  	[tilespmem:s23+$0x2940] =	vst v1;
	v6 =	vmul.f32 v6, v0;
	v1 =	vld [tilespmem:s23+$0x29B0]  }
0x69: {  	[tilespmem:s23+$0x2950] =	vst v7;
	v8 =	vmul.f32 v3, v0;
	v3 =	vld [tilespmem:s23+$0x29C0]  }
0x6a: {  	[tilespmem:s23+$0x2960] =	vst v6;
	v7 =	vmul.f32 v4, v0;
	v4 =	vld [tilespmem:s23+$0x29D0]  }
0x6b: {  	s24 =	sadd.s32 $0x400, s24;
	[tilespmem:s23+$0x2970] =	vst v8;
	v6 =	vmul.f32 v5, v0;
	v5 =	vld [tilespmem:s23+$0x29E0]  }
0x6c: {  	[tilespmem:s23+$0x2980] =	vst v7;
	v2 =	vmul.f32 v2, v0;
	v63 =	vld [tilespmem:s23+$0x29F0]  }
0x6d: {  	[tilespmem:s23+$0x2990] =	vst v6;
	v1 =	vmul.f32 v1, v0  }
0x6e: {  	[tilespmem:s23+$0x29A0] =	vst v2;
	v2 =	vmul.f32 v3, v0  }
0x6f: {  	[tilespmem:s23+$0x29B0] =	vst v1;
	v1 =	vmul.f32 v4, v0  }
0x70: {  	s21 =	sadd.s32 s21, s8;
	[tilespmem:s23+$0x29C0] =	vst v2;
	v2 =	vmul.f32 v5, v0  }
0x71: {  	s21 =	sshll.u32 s21, $0x9;
	[tilespmem:s23+$0x29D0] =	vst v1;
	v1 =	vmul.f32 v63, v0  }
0x72: {  	s20 =	sadd.s32 $0x1, s20;
	s21 =	sand.u32 $0x1FFFFE00, s21;
	[tilespmem:s23+$0x29E0] =	vst v2  }
0x73: {  	p0 =	sne.s32 s20, $0x18;
	s21 =	sadd.s32 s2, s21;
	[tilespmem:s23+$0x29F0] =	vst v1  }
0x74: {  	[hbm4b:s21+s3] =	stream.linear.scatter [tilespmem:s16], [sflag:$0x3], $0x1000, $0x38;
	[tilespmem:$0x3910] =	vst v63  }
.Ltmp2:
0x75: {  	_ = 	snop;
	(pc) =	sbr.rel @p0 .LBB2_2-.Ltmp2, $4  }
0x76: {  	_ =	swait.ge [sflag:s12], $0x1000  }
0x77: {  	[sflag:s12] =	ssyncset.done $0x0  }
0x78: {  	s31 =	sadd.s32 $0x180, s22;
	[sflag:s12] =	ssyncadd.s32 $0xFFFFF000  }
0x79: {  	[tilespmem:s16], [sflag:$0x2] =	stream.indirect.gather [hbm4b:s4+s14], $0x20, s31, s14, $0xb8;
	[tilespmem:$0x3910] =	vst v63  }
0x7a: {  	_ =	swait.ge [sflag:s17], $0x1000  }
0x7b: {  	[sflag:s17] =	ssyncset.done $0x0  }
0x7c: {  	s20 =	simm.s32 $0x0;
	[sflag:s17] =	ssyncadd.s32 $0xFFFFF000  }
0x7d: {  	v1 =	vld [tilespmem:s20+$0x1900]  }
0x7e: {  	v2 =	vld [tilespmem:s20+$0x1910]  }
0x7f: {  	v3 =	vld [tilespmem:s20+$0x1920]  }
0x80: {  	v4 =	vld [tilespmem:s20+$0x1930]  }
0x81: {  	v5 =	vld [tilespmem:s20+$0x1940]  }
0x82: {  	v6 =	vld [tilespmem:s20+$0x1950];
	v1 =	vmul.f32 v1, v0  }
0x83: {  	v7 =	vld [tilespmem:s20+$0x1960];
	v2 =	vmul.f32 v2, v0  }
0x84: {  	v8 =	vld [tilespmem:s20+$0x1970];
	[tilespmem:s20+$0x1900] =	vst v1;
	v1 =	vmul.f32 v3, v0  }
0x85: {  	v9 =	vld [tilespmem:s20+$0x1980];
	[tilespmem:s20+$0x1910] =	vst v2;
	v2 =	vmul.f32 v4, v0  }
0x86: {  	v10 =	vld [tilespmem:s20+$0x1990];
	[tilespmem:s20+$0x1920] =	vst v1;
	v1 =	vmul.f32 v5, v0  }
0x87: {  	v3 =	vmul.f32 v6, v0;
	[tilespmem:s20+$0x1930] =	vst v2;
	v2 =	vld [tilespmem:s20+$0x19A0]  }
0x88: {  	v4 =	vmul.f32 v7, v0;
	[tilespmem:s20+$0x1940] =	vst v1;
	v1 =	vld [tilespmem:s20+$0x19B0]  }
0x89: {  	[tilespmem:s20+$0x1950] =	vst v3;
	v3 =	vld [tilespmem:s20+$0x19C0];
	v5 =	vmul.f32 v8, v0  }
0x8a: {  	v7 =	vmul.f32 v9, v0;
	[tilespmem:s20+$0x1960] =	vst v4;
	v4 =	vld [tilespmem:s20+$0x19D0]  }
0x8b: {  	s21 =	simm.s32 $0x400;
	v6 =	vmul.f32 v10, v0;
	[tilespmem:s20+$0x1970] =	vst v5;
	v5 =	vld [tilespmem:s20+$0x19E0]  }
.LBB2_8:
0x8c: {  	s22 =	sshra.s32 s21, $0x2;
	p0 =	sne.s32 s21, $0x3C00;
	[tilespmem:s20+$0x1980] =	vst v7;
	v2 =	vmul.f32 v2, v0;
	v7 =	vld [tilespmem:s20+$0x19F0]  }
0x8d: {  	v8 =	vld [tilespmem:s22+$0x1900];
	[tilespmem:s20+$0x1990] =	vst v6;
	v1 =	vmul.f32 v1, v0  }
0x8e: {  	v6 =	vld [tilespmem:s22+$0x1910];
	[tilespmem:s20+$0x19A0] =	vst v2;
	v2 =	vmul.f32 v3, v0  }
0x8f: {  	v3 =	vld [tilespmem:s22+$0x1920];
	[tilespmem:s20+$0x19B0] =	vst v1;
	v1 =	vmul.f32 v4, v0  }
0x90: {  	v4 =	vld [tilespmem:s22+$0x1930];
	[tilespmem:s20+$0x19C0] =	vst v2;
	v2 =	vmul.f32 v5, v0  }
0x91: {  	v5 =	vld [tilespmem:s22+$0x1940];
	[tilespmem:s20+$0x19D0] =	vst v1;
	v1 =	vmul.f32 v7, v0  }
0x92: {  	v7 =	vmul.f32 v8, v0;
	v8 =	vld [tilespmem:s22+$0x1950];
	[tilespmem:s20+$0x19E0] =	vst v2  }
0x93: {  	v2 =	vmul.f32 v6, v0;
	v6 =	vld [tilespmem:s22+$0x1960];
	[tilespmem:s20+$0x19F0] =	vst v1;
	s20 =	smov.u32 s22  }
0x94: {  	[tilespmem:s20+$0x1900] =	vst v7;
	v1 =	vmul.f32 v3, v0;
	v3 =	vld [tilespmem:s20+$0x1970]  }
0x95: {  	[tilespmem:s20+$0x1910] =	vst v2;
	v2 =	vmul.f32 v4, v0;
	v4 =	vld [tilespmem:s20+$0x1980]  }
0x96: {  	[tilespmem:s20+$0x1920] =	vst v1;
	v1 =	vmul.f32 v5, v0;
	v5 =	vld [tilespmem:s20+$0x1990]  }
.Ltmp3:
0x97: {  	[tilespmem:s20+$0x1930] =	vst v2;
	v7 =	vmul.f32 v8, v0;
	v2 =	vld [tilespmem:s20+$0x19A0];
	(pc) =	sbr.rel @p0 .LBB2_8-.Ltmp3, $4  }
0x98: {  	[tilespmem:s20+$0x1940] =	vst v1;
	v6 =	vmul.f32 v6, v0;
	v1 =	vld [tilespmem:s20+$0x19B0]  }
0x99: {  	[tilespmem:s20+$0x1950] =	vst v7;
	v8 =	vmul.f32 v3, v0;
	v3 =	vld [tilespmem:s20+$0x19C0]  }
0x9a: {  	[tilespmem:s20+$0x1960] =	vst v6;
	v7 =	vmul.f32 v4, v0;
	v4 =	vld [tilespmem:s20+$0x19D0]  }
0x9b: {  	s21 =	sadd.s32 $0x400, s21;
	[tilespmem:s20+$0x1970] =	vst v8;
	v6 =	vmul.f32 v5, v0;
	v5 =	vld [tilespmem:s20+$0x19E0]  }
0x9c: {  	[tilespmem:s20+$0x1980] =	vst v7;
	v2 =	vmul.f32 v2, v0;
	v7 =	vld [tilespmem:s20+$0x19F0]  }
0x9d: {  	[tilespmem:s20+$0x1990] =	vst v6;
	v1 =	vmul.f32 v1, v0  }
0x9e: {  	[tilespmem:s20+$0x19A0] =	vst v2;
	v2 =	vmul.f32 v3, v0  }
0x9f: {  	[tilespmem:s20+$0x19B0] =	vst v1;
	v1 =	vmul.f32 v4, v0  }
0xa0: {  	[tilespmem:s20+$0x19C0] =	vst v2;
	v2 =	vmul.f32 v5, v0  }
0xa1: {  	[tilespmem:s20+$0x19D0] =	vst v1;
	v1 =	vmul.f32 v7, v0  }
0xa2: {  	[tilespmem:s20+$0x19E0] =	vst v2  }
0xa3: {  	s31 =	simm.s32 $0x0;
	[tilespmem:s20+$0x19F0] =	vst v1  }
0xa4: {  	[hbm4b:s9+s31] =	stream.linear.scatter [tilespmem:s15], [sflag:$0x3], $0x1000, $0x38;
	[tilespmem:$0x3910] =	vst v63  }
0xa5: {  	_ =	swait.ge [sflag:s12], $0x1000  }
0xa6: {  	[sflag:s12] =	ssyncset.done $0x0  }
0xa7: {  	[sflag:s12] =	ssyncadd.s32 $0xFFFFF000  }
0xa8: {  	_ =	swait.ge [sflag:s18], $0x1000  }
0xa9: {  	[sflag:s18] =	ssyncset.done $0x0  }
0xaa: {  	s20 =	simm.s32 $0x0;
	[sflag:s18] =	ssyncadd.s32 $0xFFFFF000  }
0xab: {  	v1 =	vld [tilespmem:s20+$0x2900]  }
0xac: {  	v2 =	vld [tilespmem:s20+$0x2910]  }
0xad: {  	v3 =	vld [tilespmem:s20+$0x2920]  }
0xae: {  	v4 =	vld [tilespmem:s20+$0x2930]  }
0xaf: {  	v5 =	vld [tilespmem:s20+$0x2940]  }
0xb0: {  	v6 =	vld [tilespmem:s20+$0x2950];
	v1 =	vmul.f32 v1, v0  }
0xb1: {  	v7 =	vld [tilespmem:s20+$0x2960];
	v2 =	vmul.f32 v2, v0  }
0xb2: {  	v8 =	vld [tilespmem:s20+$0x2970];
	[tilespmem:s20+$0x2900] =	vst v1;
	v1 =	vmul.f32 v3, v0  }
0xb3: {  	v9 =	vld [tilespmem:s20+$0x2980];
	[tilespmem:s20+$0x2910] =	vst v2;
	v2 =	vmul.f32 v4, v0  }
0xb4: {  	v10 =	vld [tilespmem:s20+$0x2990];
	[tilespmem:s20+$0x2920] =	vst v1;
	v1 =	vmul.f32 v5, v0  }
0xb5: {  	v3 =	vmul.f32 v6, v0;
	[tilespmem:s20+$0x2930] =	vst v2;
	v2 =	vld [tilespmem:s20+$0x29A0]  }
0xb6: {  	v4 =	vmul.f32 v7, v0;
	[tilespmem:s20+$0x2940] =	vst v1;
	v1 =	vld [tilespmem:s20+$0x29B0]  }
0xb7: {  	[tilespmem:s20+$0x2950] =	vst v3;
	v3 =	vld [tilespmem:s20+$0x29C0];
	v5 =	vmul.f32 v8, v0  }
0xb8: {  	v7 =	vmul.f32 v9, v0;
	[tilespmem:s20+$0x2960] =	vst v4;
	v4 =	vld [tilespmem:s20+$0x29D0]  }
0xb9: {  	s21 =	simm.s32 $0x400;
	v6 =	vmul.f32 v10, v0;
	[tilespmem:s20+$0x2970] =	vst v5;
	v5 =	vld [tilespmem:s20+$0x29E0]  }
.LBB2_10:
0xba: {  	s22 =	sshra.s32 s21, $0x2;
	p0 =	sne.s32 s21, $0x3C00;
	[tilespmem:s20+$0x2980] =	vst v7;
	v2 =	vmul.f32 v2, v0;
	v7 =	vld [tilespmem:s20+$0x29F0]  }
0xbb: {  	v8 =	vld [tilespmem:s22+$0x2900];
	[tilespmem:s20+$0x2990] =	vst v6;
	v1 =	vmul.f32 v1, v0  }
0xbc: {  	v6 =	vld [tilespmem:s22+$0x2910];
	[tilespmem:s20+$0x29A0] =	vst v2;
	v2 =	vmul.f32 v3, v0  }
0xbd: {  	v3 =	vld [tilespmem:s22+$0x2920];
	[tilespmem:s20+$0x29B0] =	vst v1;
	v1 =	vmul.f32 v4, v0  }
0xbe: {  	v4 =	vld [tilespmem:s22+$0x2930];
	[tilespmem:s20+$0x29C0] =	vst v2;
	v2 =	vmul.f32 v5, v0  }
0xbf: {  	v5 =	vld [tilespmem:s22+$0x2940];
	[tilespmem:s20+$0x29D0] =	vst v1;
	v1 =	vmul.f32 v7, v0  }
0xc0: {  	v7 =	vmul.f32 v8, v0;
	v8 =	vld [tilespmem:s22+$0x2950];
	[tilespmem:s20+$0x29E0] =	vst v2  }
0xc1: {  	v2 =	vmul.f32 v6, v0;
	v6 =	vld [tilespmem:s22+$0x2960];
	[tilespmem:s20+$0x29F0] =	vst v1;
	s20 =	smov.u32 s22  }
0xc2: {  	[tilespmem:s20+$0x2900] =	vst v7;
	v1 =	vmul.f32 v3, v0;
	v3 =	vld [tilespmem:s20+$0x2970]  }
0xc3: {  	[tilespmem:s20+$0x2910] =	vst v2;
	v2 =	vmul.f32 v4, v0;
	v4 =	vld [tilespmem:s20+$0x2980]  }
0xc4: {  	[tilespmem:s20+$0x2920] =	vst v1;
	v1 =	vmul.f32 v5, v0;
	v5 =	vld [tilespmem:s20+$0x2990]  }
.Ltmp4:
0xc5: {  	[tilespmem:s20+$0x2930] =	vst v2;
	v7 =	vmul.f32 v8, v0;
	v2 =	vld [tilespmem:s20+$0x29A0];
	(pc) =	sbr.rel @p0 .LBB2_10-.Ltmp4, $4  }
0xc6: {  	[tilespmem:s20+$0x2940] =	vst v1;
	v6 =	vmul.f32 v6, v0;
	v1 =	vld [tilespmem:s20+$0x29B0]  }
0xc7: {  	[tilespmem:s20+$0x2950] =	vst v7;
	v8 =	vmul.f32 v3, v0;
	v3 =	vld [tilespmem:s20+$0x29C0]  }
0xc8: {  	[tilespmem:s20+$0x2960] =	vst v6;
	v7 =	vmul.f32 v4, v0;
	v4 =	vld [tilespmem:s20+$0x29D0]  }
0xc9: {  	s21 =	sadd.s32 $0x400, s21;
	[tilespmem:s20+$0x2970] =	vst v8;
	v6 =	vmul.f32 v5, v0;
	v5 =	vld [tilespmem:s20+$0x29E0]  }
0xca: {  	[tilespmem:s20+$0x2980] =	vst v7;
	v2 =	vmul.f32 v2, v0;
	v59 =	vld [tilespmem:s20+$0x29F0]  }
0xcb: {  	[tilespmem:s20+$0x2990] =	vst v6;
	v1 =	vmul.f32 v1, v0  }
0xcc: {  	[tilespmem:s20+$0x29A0] =	vst v2;
	v60 =	vmul.f32 v3, v0  }
0xcd: {  	[tilespmem:s20+$0x29B0] =	vst v1;
	v61 =	vmul.f32 v4, v0  }
0xce: {  	[tilespmem:s20+$0x29C0] =	vst v60;
	v62 =	vmul.f32 v5, v0  }
0xcf: {  	s19 =	sadd.s32 $0x1, s19;
	[tilespmem:s20+$0x29D0] =	vst v61;
	v63 =	vmul.f32 v59, v0  }
0xd0: {  	p0 =	sne.s32 s19, s11;
	[tilespmem:s20+$0x29E0] =	vst v62  }
.Ltmp5:
0xd1: {  	[tilespmem:s20+$0x29F0] =	vst v63;
	(pc) =	sbr.rel @p0 .LBB2_1-.Ltmp5, $4  }
0xd2: {  	[hbm4b:s10+s3] =	stream.linear.scatter [tilespmem:s16], [sflag:$0x3], $0x1000, $0x38;
	[tilespmem:$0x3910] =	vst v63  }
0xd3: {  	_ =	swait.ge [sflag:s12], $0x1000  }
0xd4: {  	[sflag:s12] =	ssyncset.done $0x0  }
0xd5: {  	[sflag:s12] =	ssyncadd.s32 $0xFFFFF000  }
0xd6: {  	_ =	sfence.sel $0x180000  }
0xd7: {  	[bflag:$0x0] =	sbarrier.arrive $0xFFFF  }
0xd8: {  	p0 =	sne.s32 s1, $0x0;
	_ =	strace $0x90000047  }
0xd9: {  	s0 =	sadd.s32 @!p0 $0x100000, s0;
	[bflag:$0x2] =	sbarrier.arrive $0xFFFF  }
0xda: {  	[sflag:s0] =	ssyncadd.tile.s32 @!p0 $0x1;
	_ =	shalt  }
.Lfunc_end2:
_tile_overlayer_lowered:
.L_overlay_start_2:
0xdb: {  	(tag) =	ssettag $0x2  }
0xdc: {  	s0 =	rddreg [dreg:$0x0];
	s2 =	stileid.u32  }
0xdd: {  	s1 =	rddreg [dreg:$0x1];
	p0 =	sne.s32 s2, $0x0  }
0xde: {  	s3 =	rddreg [dreg:$0x2];
	[bflag:$0x3] =	sbarrier.arrive $0xFFFF;
	s2 =	simm.s32 @!p0 $0x1C03  }
0xdf: {  	[timem:s3], [sflag:s2] =	dma.local @!p0 [hbm:s0], s1  }
0xe0: {  	s0 =	simm.s32 @!p0 $0x3  }
0xe1: {  	_ =	swait.ge @!p0 [sflag:s0], s1  }
0xe2: {  	s1 =	ssub.s32 @!p0 $0x0, s1;
	[sflag:s0] =	ssyncset.done @!p0 $0x0  }
0xe3: {  	[sflag:s0] =	ssyncadd.s32 @!p0 s1  }
0xe4: {  	[bflag:$0x3] =	sbarrier.arrive $0xFFFF  }
0xe5: {  	_ =	shalt  }

</sc_bundles>
